<compile_context>
chip_gen: v7x
topology: tpu7x:2x2x1
jax: 0.10.2.dev20260603
libtpu: 0.0.44.dev20260713+nightly
codegen_flags: <defaults>
</compile_context>

<pallas_src>
import functools
import jax
import jax.numpy as jnp
from jax import lax
from jax.experimental import pallas as pl
from jax.experimental.pallas import tpu as pltpu
from jax.experimental.pallas import tpu_sc as plsc

B = 16
N = 16384
NP1, NS1 = 128, 32
NP2, NS2 = 32, 64
BIGI = 1 << 30
INF = 1e30
SLANES = 256



_FH = 8


def _fps1_body(xp_ref, yp_ref, zp_ref, o_ref):
    xp, yp, zp = xp_ref[...], yp_ref[...], zp_ref[...]
    col = lax.broadcasted_iota(jnp.int32, (_FH, N), 1)
    ksel_iota = lax.broadcasted_iota(jnp.int32, (_FH, NP1), 1)

    def step(k, state):
        dist, far, cx, cy, cz = state
        m = col == far
        cxs = jnp.sum(jnp.where(m, xp, 0.0), axis=1, keepdims=True)
        cys = jnp.sum(jnp.where(m, yp, 0.0), axis=1, keepdims=True)
        czs = jnp.sum(jnp.where(m, zp, 0.0), axis=1, keepdims=True)
        d = (xp - cxs) ** 2 + (yp - cys) ** 2 + (zp - czs) ** 2
        dist = jnp.minimum(dist, d)
        mx = jnp.max(dist, axis=1, keepdims=True)
        nf = jnp.min(jnp.where(dist == mx, col, BIGI), axis=1, keepdims=True)
        ksel = ksel_iota == k
        return (dist, nf, jnp.where(ksel, cxs, cx), jnp.where(ksel, cys, cy),
                jnp.where(ksel, czs, cz))

    init = (jnp.full((_FH, N), 1e10, jnp.float32), jnp.zeros((_FH, 1), jnp.int32),
            jnp.zeros((_FH, NP1), jnp.float32), jnp.zeros((_FH, NP1), jnp.float32),
            jnp.zeros((_FH, NP1), jnp.float32))
    _, _, cx, cy, cz = lax.fori_loop(0, NP1, step, init)
    o_ref[...] = jnp.concatenate(
        [cx[:, None, :], cy[:, None, :], cz[:, None, :],
         jnp.zeros((_FH, 5, NP1), jnp.float32)], axis=1)


def _fps1(xp, yp, zp):
    return pl.pallas_call(
        _fps1_body,
        grid=(B // _FH,),
        compiler_params=pltpu.CompilerParams(dimension_semantics=("parallel",)),
        in_specs=[pl.BlockSpec((_FH, N), lambda i: (i, 0))] * 3,
        out_specs=pl.BlockSpec((_FH, 8, NP1), lambda i: (i, 0, 0)),
        out_shape=jax.ShapeDtypeStruct((B, 8, NP1), jnp.float32),
    )(xp, yp, zp)



def _knn1_body(nx_ref, pts_ref, o_ref):
    b = pl.program_id(0)
    nx = nx_ref[0][0:3, :]
    pts = pts_ref[0]
    b2 = jnp.sum(pts * pts, axis=0, keepdims=True)
    ab = lax.dot_general(nx, pts, (((0,), (0,)), ((), ())),
                         preferred_element_type=jnp.float32)
    a2c = lax.dot_general(nx * nx, jnp.ones((3, 1), jnp.float32),
                          (((0,), (0,)), ((), ())),
                          preferred_element_type=jnp.float32)
    d = jnp.sqrt(jnp.maximum(a2c + b2 - 2.0 * ab, 1e-12))
    col = lax.broadcasted_iota(jnp.int32, (NP1, N), 1)
    ksel_iota = lax.broadcasted_iota(jnp.int32, (NP1, NS1), 1)

    def step(k, state):
        mprev, iprev, idxout = state
        pred = (d > mprev) | ((d == mprev) & (col > iprev))
        m = jnp.min(jnp.where(pred, d, INF), axis=1, keepdims=True)
        idx = jnp.min(jnp.where(pred & (d == m), col, BIGI), axis=1,
                      keepdims=True)
        idxout = jnp.where(ksel_iota == k, idx, idxout)
        return m, idx, idxout

    init = (jnp.full((NP1, 1), -INF, jnp.float32),
            jnp.full((NP1, 1), -1, jnp.int32),
            jnp.zeros((NP1, NS1), jnp.int32))
    _, _, idxout = lax.fori_loop(0, NS1, step, init)
    o_ref[...] = (idxout + b * N)[None]


def _knn1(nxyz1, pts_t):
    return pl.pallas_call(
        _knn1_body,
        grid=(B,),
        compiler_params=pltpu.CompilerParams(dimension_semantics=("parallel",)),
        in_specs=[
            pl.BlockSpec((1, 8, NP1), lambda b: (b, 0, 0)),
            pl.BlockSpec((1, 3, N), lambda b: (b, 0, 0)),
        ],
        out_specs=pl.BlockSpec((1, NP1, NS1), lambda b: (b, 0, 0)),
        out_shape=jax.ShapeDtypeStruct((B, NP1, NS1), jnp.int32),
    )(nxyz1, pts_t)



_SC_NC, _SC_NS = 2, 16
_NW = _SC_NC * _SC_NS
_NG = B * NP1 * NS1
_GPW = _NG // _NW
_CH = 512
_TD = 128


def _sc_gather(table, idx_flat):
    mesh = plsc.VectorSubcoreMesh(core_axis_name="c", subcore_axis_name="s")

    @functools.partial(
        pl.kernel,
        out_type=jax.ShapeDtypeStruct((_NG, _TD), jnp.float32),
        mesh=mesh,
        scratch_types=[
            pltpu.VMEM((_CH,), jnp.int32),
            pltpu.VMEM((_CH, _TD), jnp.float32),
            pltpu.SemaphoreType.DMA,
        ],
    )
    def k(table_hbm, idx_hbm, out_hbm, idx_v, rows_v, sem):
        wid = lax.axis_index("s") * _SC_NC + lax.axis_index("c")
        base = wid * _GPW
        for c in range(_GPW // _CH):
            off = base + c * _CH
            pltpu.sync_copy(idx_hbm.at[pl.ds(off, _CH)], idx_v)
            pltpu.async_copy(table_hbm.at[idx_v], rows_v, sem).wait()
            pltpu.sync_copy(rows_v, out_hbm.at[pl.ds(off, _CH)])

    return k(table, idx_flat)



def _stats_mat(y, cout):
    s = jnp.sum(y, axis=0)
    ss = jnp.sum(y * y, axis=0)
    if cout < SLANES:
        pad = jnp.zeros((SLANES - cout,), jnp.float32)
        s = jnp.concatenate([s, pad])
        ss = jnp.concatenate([ss, pad])
    sp = s[None]
    ssp = ss[None]
    return jnp.concatenate([sp, ssp, jnp.zeros((6, SLANES), jnp.float32)], axis=0)


def _bn(y, st, cout, cnt):
    ssum = jnp.sum(st[:, 0, :], axis=0)[:cout]
    sss = jnp.sum(st[:, 1, :], axis=0)[:cout]
    mean = ssum / cnt
    var = sss / cnt - mean * mean
    inv = lax.rsqrt(var + 1e-5)
    return jnp.maximum((y - mean[None, :]) * inv[None, :], 0.0)


def _c1_body(g_ref, nx_ref, w_ref, b_ref, oy_ref, os_ref):
    g = g_ref[0]
    nx = nx_ref[0][0:3, :]
    w = w_ref[...]
    y = lax.dot_general(g, w, (((1,), (1,)), ((), ())),
                        preferred_element_type=jnp.float32)
    corr = lax.dot_general(nx, w[:, 0:3], (((0,), (1,)), ((), ())),
                           preferred_element_type=jnp.float32)
    y = (y.reshape(NP1, NS1, 64) - corr[:, None, :] + b_ref[0][None, None, :])
    y = y.reshape(NP1 * NS1, 64)
    oy_ref[0] = y
    os_ref[0] = _stats_mat(y, 64)


def _c1(g, nxyz1, w1p, b1r):
    return pl.pallas_call(
        _c1_body,
        grid=(B,),
        compiler_params=pltpu.CompilerParams(dimension_semantics=("parallel",)),
        in_specs=[
            pl.BlockSpec((1, NP1 * NS1, _TD), lambda b: (b, 0, 0)),
            pl.BlockSpec((1, 8, NP1), lambda b: (b, 0, 0)),
            pl.BlockSpec((64, _TD), lambda b: (0, 0)),
            pl.BlockSpec((1, 64), lambda b: (0, 0)),
        ],
        out_specs=[
            pl.BlockSpec((1, NP1 * NS1, 64), lambda b: (b, 0, 0)),
            pl.BlockSpec((1, 8, SLANES), lambda b: (b, 0, 0)),
        ],
        out_shape=[
            jax.ShapeDtypeStruct((B, NP1 * NS1, 64), jnp.float32),
            jax.ShapeDtypeStruct((B, 8, SLANES), jnp.float32),
        ],
    )(g, nxyz1, w1p, b1r)


def _conv_bn(y_prev, st_prev, w, br, cin, cout, p):
    cnt = float(B * p)

    def body(y_ref, st_ref, w_ref, b_ref, oy_ref, os_ref):
        x = _bn(y_ref[0], st_ref[...], cin, cnt)
        y = lax.dot_general(x, w_ref[...], (((1,), (1,)), ((), ())),
                            preferred_element_type=jnp.float32) + b_ref[0][None, :]
        oy_ref[0] = y
        os_ref[0] = _stats_mat(y, cout)

    return pl.pallas_call(
        body,
        grid=(B,),
        compiler_params=pltpu.CompilerParams(dimension_semantics=("parallel",)),
        in_specs=[
            pl.BlockSpec((1, p, cin), lambda b: (b, 0, 0)),
            pl.BlockSpec((B, 8, SLANES), lambda b: (0, 0, 0)),
            pl.BlockSpec((cout, cin), lambda b: (0, 0)),
            pl.BlockSpec((1, cout), lambda b: (0, 0)),
        ],
        out_specs=[
            pl.BlockSpec((1, p, cout), lambda b: (b, 0, 0)),
            pl.BlockSpec((1, 8, SLANES), lambda b: (b, 0, 0)),
        ],
        out_shape=[
            jax.ShapeDtypeStruct((B, p, cout), jnp.float32),
            jax.ShapeDtypeStruct((B, 8, SLANES), jnp.float32),
        ],
    )(y_prev, st_prev, w, br)


def _pool1_body(y_ref, st_ref, o_ref):
    x = _bn(y_ref[0], st_ref[...], 128, float(B * NP1 * NS1))
    o_ref[0] = jnp.max(x.reshape(NP1, NS1, 128), axis=1)


def _pool1(y3, st3):
    return pl.pallas_call(
        _pool1_body,
        grid=(B,),
        compiler_params=pltpu.CompilerParams(dimension_semantics=("parallel",)),
        in_specs=[
            pl.BlockSpec((1, NP1 * NS1, 128), lambda b: (b, 0, 0)),
            pl.BlockSpec((B, 8, SLANES), lambda b: (0, 0, 0)),
        ],
        out_specs=pl.BlockSpec((1, NP1, 128), lambda b: (b, 0, 0)),
        out_shape=jax.ShapeDtypeStruct((B, NP1, 128), jnp.float32),
    )(y3, st3)



def _sa2a_body(f_ref, nx_ref, w_ref, b_ref, oy_ref, os_ref):
    f1 = f_ref[0]
    nb = nx_ref[0]
    cxr, cyr, czr = nb[0:1, :], nb[1:2, :], nb[2:3, :]
    col1 = lax.broadcasted_iota(jnp.int32, (1, NP1), 1)
    kiota = lax.broadcasted_iota(jnp.int32, (NP2, 1), 0)

    def fstep(k, state):
        dist, far, sx, sy, sz = state
        m = col1 == far
        cxs = jnp.sum(jnp.where(m, cxr, 0.0), axis=1, keepdims=True)
        cys = jnp.sum(jnp.where(m, cyr, 0.0), axis=1, keepdims=True)
        czs = jnp.sum(jnp.where(m, czr, 0.0), axis=1, keepdims=True)
        d = (cxr - cxs) ** 2 + (cyr - cys) ** 2 + (czr - czs) ** 2
        dist = jnp.minimum(dist, d)
        mx = jnp.max(dist, axis=1, keepdims=True)
        nf = jnp.min(jnp.where(dist == mx, col1, BIGI), axis=1, keepdims=True)
        ks = kiota == k
        return (dist, nf, jnp.where(ks, cxs, sx), jnp.where(ks, cys, sy),
                jnp.where(ks, czs, sz))

    finit = (jnp.full((1, NP1), 1e10, jnp.float32), jnp.zeros((1, 1), jnp.int32),
             jnp.zeros((NP2, 1), jnp.float32), jnp.zeros((NP2, 1), jnp.float32),
             jnp.zeros((NP2, 1), jnp.float32))
    _, _, sx, sy, sz = lax.fori_loop(0, NP2, fstep, finit)

    sxyz = jnp.concatenate([sx, sy, sz], axis=1)
    ab2 = lax.dot_general(sxyz, nb[0:3, :], (((1,), (0,)), ((), ())),
                          preferred_element_type=jnp.float32)
    a2c2 = jnp.sum(sxyz * sxyz, axis=1, keepdims=True)
    b2r2 = cxr * cxr + cyr * cyr + czr * czr
    d2 = jnp.sqrt(jnp.maximum(a2c2 + b2r2 - 2.0 * ab2, 1e-12))
    col2 = lax.broadcasted_iota(jnp.int32, (NP2, NP1), 1)
    siota = lax.broadcasted_iota(jnp.int32, (1, NS2, 1), 1)

    def kstep(k, state):
        dcur, acc = state
        m = jnp.min(dcur, axis=1, keepdims=True)
        idx = jnp.min(jnp.where(dcur == m, col2, BIGI), axis=1, keepdims=True)
        knock = col2 == idx
        acc = jnp.where(siota == k, knock[:, None, :].astype(jnp.float32), acc)
        return jnp.where(knock, INF, dcur), acc

    _, acc = lax.fori_loop(
        0, NS2, kstep, (d2, jnp.zeros((NP2, NS2, NP1), jnp.float32)))
    oh = acc.reshape(NP2 * NS2, NP1)

    gx = lax.dot_general(oh, cxr, (((1,), (1,)), ((), ())),
                         preferred_element_type=jnp.float32)
    gy = lax.dot_general(oh, cyr, (((1,), (1,)), ((), ())),
                         preferred_element_type=jnp.float32)
    gz = lax.dot_general(oh, czr, (((1,), (1,)), ((), ())),
                         preferred_element_type=jnp.float32)
    gf = lax.dot_general(oh, f1, (((1,), (1,)), ((), ())),
                         preferred_element_type=jnp.float32)
    g = jnp.concatenate([gx, gy, gz, gf], axis=1)
    s = jnp.concatenate([sx, sy, sz, jnp.zeros((NP2, 128), jnp.float32)],
                        axis=1)
    g = (g.reshape(NP2, NS2, 131) - s[:, None, :]).reshape(NP2 * NS2, 131)
    y = lax.dot_general(g, w_ref[...], (((1,), (1,)), ((), ())),
                        preferred_element_type=jnp.float32) + b_ref[0][None, :]
    oy_ref[0] = y
    os_ref[0] = _stats_mat(y, 128)


def _sa2a(f1, nxyz1, w4, b4r):
    return pl.pallas_call(
        _sa2a_body,
        grid=(B,),
        compiler_params=pltpu.CompilerParams(dimension_semantics=("parallel",)),
        in_specs=[
            pl.BlockSpec((1, NP1, 128), lambda b: (b, 0, 0)),
            pl.BlockSpec((1, 8, NP1), lambda b: (b, 0, 0)),
            pl.BlockSpec((128, 131), lambda b: (0, 0)),
            pl.BlockSpec((1, 128), lambda b: (0, 0)),
        ],
        out_specs=[
            pl.BlockSpec((1, NP2 * NS2, 128), lambda b: (b, 0, 0)),
            pl.BlockSpec((1, 8, SLANES), lambda b: (b, 0, 0)),
        ],
        out_shape=[
            jax.ShapeDtypeStruct((B, NP2 * NS2, 128), jnp.float32),
            jax.ShapeDtypeStruct((B, 8, SLANES), jnp.float32),
        ],
    )(f1, nxyz1, w4, b4r)


def _fin_body(y_ref, st_ref, o_ref):
    x = _bn(y_ref[0], st_ref[...], 256, float(B * NP2 * NS2))
    o_ref[0] = jnp.max(x.reshape(NP2, NS2, 256), axis=(1, 2)).reshape(1, NP2)


def _fin(y6, st6):
    return pl.pallas_call(
        _fin_body,
        grid=(B,),
        compiler_params=pltpu.CompilerParams(dimension_semantics=("parallel",)),
        in_specs=[
            pl.BlockSpec((1, NP2 * NS2, 256), lambda b: (b, 0, 0)),
            pl.BlockSpec((B, 8, SLANES), lambda b: (0, 0, 0)),
        ],
        out_specs=pl.BlockSpec((1, 1, NP2), lambda b: (b, 0, 0)),
        out_shape=jax.ShapeDtypeStruct((B, 1, NP2), jnp.float32),
    )(y6, st6)



@jax.jit
def kernel(points, W1, b1, W2, b2, W3, b3, W4, b4, W5, b5, W6, b6):
    xp, yp, zp = points[..., 0], points[..., 1], points[..., 2]
    nxyz1 = _fps1(xp, yp, zp)
    pts_t = jnp.transpose(points[..., :3], (0, 2, 1))
    idx1 = _knn1(nxyz1, pts_t)
    table = jnp.pad(points.reshape(B * N, 6), ((0, 0), (0, _TD - 6)))
    g = _sc_gather(table, idx1.reshape(_NG))
    g = g.reshape(B, NP1 * NS1, _TD)

    w1p = jnp.pad(W1, ((0, 0), (0, _TD - 6)))
    y1, s1 = _c1(g, nxyz1, w1p, b1[None])
    y2, s2 = _conv_bn(y1, s1, W2, b2[None], 64, 64, NP1 * NS1)
    y3, s3 = _conv_bn(y2, s2, W3, b3[None], 64, 128, NP1 * NS1)
    f1 = _pool1(y3, s3)

    y4, s4 = _sa2a(f1, nxyz1, W4, b4[None])
    y5, s5 = _conv_bn(y4, s4, W5, b5[None], 128, 128, NP2 * NS2)
    y6, s6 = _conv_bn(y5, s5, W6, b6[None], 128, 256, NP2 * NS2)
    return _fin(y6, s6).reshape(B, NP2)

# --- scband reference (transcript-rebuilt; emitter-appended) ---
"""Pipeline reference for scband-li-darencoder-22900765622374 (READ-ONLY COPY).

The authoritative reference and input builder live on the scoring server;
editing this copy changes nothing except your own understanding.
"""

import jax, jax.numpy as jnp
import numpy as np

NPOINT1, NSAMPLE1 = 128, 32
NPOINT2, NSAMPLE2 = 32, 64

def _pairwise_dist(a, b):
    a2 = jnp.sum(a * a, axis=-1)[:, :, None]
    b2 = jnp.sum(b * b, axis=-1)[:, None, :]
    ab = jnp.einsum('bnd,bmd->bnm', a, b)
    return jnp.sqrt(jnp.maximum(a2 + b2 - 2.0 * ab, 1e-12))

def _fps(xyz, npoint):
    # Farthest point sampling; deterministic start at index 0 (torch uses randint).
    xyz_sg = jax.lax.stop_gradient(xyz)
    B, N, _ = xyz_sg.shape
    def step(state, _):
        distance, farthest = state
        centroid = jnp.take_along_axis(xyz_sg, farthest[:, None, None], axis=1)
        dist = jnp.sum((xyz_sg - centroid) ** 2, axis=2)
        distance = jnp.minimum(distance, dist)
        new_far = jnp.argmax(distance, axis=1).astype(jnp.int32)
        return (distance, new_far), farthest
    init = (jnp.full((B, N), 1e10, dtype=xyz_sg.dtype), jnp.zeros((B,), dtype=jnp.int32))
    _, cent = jax.lax.scan(step, init, None, length=npoint)
    centroids = cent.T  # (B, npoint)
    return jnp.take_along_axis(xyz, centroids[:, :, None], axis=1)

def _query_ball(nsample, xyz, new_xyz, features):
    dist = _pairwise_dist(new_xyz, xyz)
    _, idx = jax.lax.top_k(-dist, nsample)  # k smallest distances
    grouped_xyz = jax.vmap(lambda x, i: x[i])(xyz, idx)  # (B, np, ns, 3)
    grouped_xyz = jnp.transpose(grouped_xyz - new_xyz[:, :, None, :], (0, 3, 1, 2))
    if features is not None:
        gf = jax.vmap(lambda f, i: f[i])(features, idx)
        gf = jnp.transpose(gf, (0, 3, 1, 2))
        grouped = jnp.concatenate([grouped_xyz, gf], axis=1)
    else:
        grouped = grouped_xyz
    return grouped_xyz, grouped

def _conv_bn_relu(x, W, b):
    # 1x1 Conv2d + BatchNorm2d (training-mode batch stats, gamma=1/beta=0 init) + ReLU
    y = jnp.einsum('oc,bcpk->bopk', W, x) + b[None, :, None, None]
    mean = jnp.mean(y, axis=(0, 2, 3), keepdims=True)
    var = jnp.var(y, axis=(0, 2, 3), keepdims=True)
    return jax.nn.relu((y - mean) / jnp.sqrt(var + 1e-5))

def _sa(xyz, features, npoint, nsample, Ws, bs):
    new_xyz = _fps(xyz, npoint)
    _, x = _query_ball(nsample, xyz, new_xyz, features)
    for W, b in zip(Ws, bs):
        x = _conv_bn_relu(x, W, b)
    return new_xyz, jnp.max(x, axis=3)

def _forward(points, W1, b1, W2, b2, W3, b3, W4, b4, W5, b5, W6, b6):
    xyz = points[..., :3]
    features = points[..., 3:]
    xyz, features = _sa(xyz, features, NPOINT1, NSAMPLE1, [W1, W2, W3], [b1, b2, b3])
    xyz, features = _sa(xyz, features, NPOINT2, NSAMPLE2, [W4, W5, W6], [b4, b5, b6])
    # sa3 (npoint=None): faithful to torch code incl. its axis quirk -> (B, 32)
    f = jnp.transpose(features, (0, 2, 1))
    gf = jnp.max(f, axis=2, keepdims=True)
    return gf[..., 0]

def setup_inputs(seed: int = 0):
    key = jax.random.key(seed)
    ks = jax.random.split(key, 16)
    points = jax.random.normal(ks[0], (16, 16384, 6), dtype=jnp.float32)
    def u(k, shape, fan_in):
        bd = 1.0 / float(np.sqrt(fan_in))
        return jax.random.uniform(k, shape, minval=-bd, maxval=bd, dtype=jnp.float32)
    inp = {"points": points}
    dims = [(64, 6), (64, 64), (128, 64), (128, 131), (128, 128), (256, 128)]
    for i, (o, c) in enumerate(dims):
        inp["W%d" % (i + 1)] = u(ks[2 * i + 1], (o, c), c)
        inp["b%d" % (i + 1)] = u(ks[2 * i + 2], (o,), c)
    return inp

def reference(points, W1, b1, W2, b2, W3, b3, W4, b4, W5, b5, W6, b6):
    return _forward(points, W1, b1, W2, b2, W3, b3, W4, b4, W5, b5, W6, b6)

if __name__ == "__main__":
    import jax
    _d = setup_inputs()
    print(jax.jit(kernel)(*tuple(_d.values())))

</pallas_src>

<mosaic_0001>
#map = affine_map<(d0, d1) -> (0, 0)>
#map1 = affine_map<(d0, d1) -> (0)>
module attributes {stable_mosaic.version = 14 : i64} {
  func.func @k(%arg0: i32, %arg1: i32, %arg2: memref<262144x128xf32, #tpu.memory_space<hbm>>, %arg3: memref<65536xi32, #tpu.memory_space<hbm>>, %arg4: memref<65536x128xf32, #tpu.memory_space<hbm>>, %arg5: memref<512xi32, #tpu.memory_space<vmem>>, %arg6: memref<512x128xf32, #tpu.memory_space<vmem>>, %arg7: memref<!tpu.dma_semaphore, #tpu.memory_space<semaphore_mem>>) attributes {dimension_semantics = [#tpu.dimension_semantics<core_parallel>, #tpu.dimension_semantics<subcore_parallel>], iteration_bounds = array<i64: 2, 16>, scalar_prefetch = 0 : i64, scratch_operands = 3 : i64, tpu.core_type = #tpu.core_type<sc_vector_subcore>, window_params = [{transform_indices = #map}, {transform_indices = #map1}, {transform_indices = #map}]} {
    %mul3A = arith.constant 2 : i32
    %mul3A_0 = arith.muli %arg1, %mul3A : i32
    %add3A = arith.addi %mul3A_0, %arg0 : i32
    %mul3A_1 = arith.constant 2048 : i32
    %mul3A_2 = arith.muli %add3A, %mul3A_1 : i32
    %add3A_3 = arith.constant 0 : i32
    %add3A_4 = arith.addi %mul3A_2, %add3A_3 : i32
    "tpu.region"() ({
      %run_scoped3A = tpu.sem_alloc : memref<!tpu.dma_semaphore, #tpu.memory_space<semaphore_mem>>
      %dma_start3A_33 = tpu.memref_slice %arg3[%add3A_4] : memref<65536xi32, #tpu.memory_space<hbm>> -> memref<512xi32, #tpu.memory_space<hbm>>
      %dma_start3A_34 = tpu.memref_slice %arg3[%add3A_4] : memref<65536xi32, #tpu.memory_space<hbm>> -> memref<512xi32, #tpu.memory_space<hbm>>
      tpu.enqueue_dma source(%dma_start3A_34 : memref<512xi32, #tpu.memory_space<hbm>>) target(%arg5 : memref<512xi32, #tpu.memory_space<vmem>>) target_semaphore(%run_scoped3A : memref<!tpu.dma_semaphore, #tpu.memory_space<semaphore_mem>>)
      %dma_wait3A_35 = tpu.memref_slice %arg3[%add3A_4] : memref<65536xi32, #tpu.memory_space<hbm>> -> memref<512xi32, #tpu.memory_space<hbm>>
      %dma_wait3A_36 = tpu.memref_slice %arg3[%add3A_4] : memref<65536xi32, #tpu.memory_space<hbm>> -> memref<512xi32, #tpu.memory_space<hbm>>
      tpu.wait_dma2 semaphore(%run_scoped3A : memref<!tpu.dma_semaphore, #tpu.memory_space<semaphore_mem>>) src(%dma_wait3A_36 : memref<512xi32, #tpu.memory_space<hbm>>) dst(%arg5 : memref<512xi32, #tpu.memory_space<vmem>>)
      tpu.yield
    }) : () -> ()
    %dma_start3A = arith.constant 0 : i32
    %dma_start3A_5 = arith.constant 0 : i32
    %dma_start3A_6 = tpu.memref_slice %arg2[%dma_start3A, %dma_start3A_5] : memref<262144x128xf32, #tpu.memory_space<hbm>> -> memref<262144x128xf32, #tpu.memory_space<hbm>>
    tpu.enqueue_indirect_dma source(%dma_start3A_6 : memref<262144x128xf32, #tpu.memory_space<hbm>>) target(%arg6 : memref<512x128xf32, #tpu.memory_space<vmem>>) offsets(%arg5 : memref<512xi32, #tpu.memory_space<vmem>>) semaphore(%arg7 : memref<!tpu.dma_semaphore, #tpu.memory_space<semaphore_mem>>)
    %dma_wait3A = arith.constant 0 : i32
    %dma_wait3A_7 = arith.constant 0 : i32
    %dma_wait3A_8 = tpu.memref_slice %arg2[%dma_wait3A, %dma_wait3A_7] : memref<262144x128xf32, #tpu.memory_space<hbm>> -> memref<262144x128xf32, #tpu.memory_space<hbm>>
    tpu.wait_indirect_dma semaphore(%arg7 : memref<!tpu.dma_semaphore, #tpu.memory_space<semaphore_mem>>) src(%dma_wait3A_8 : memref<262144x128xf32, #tpu.memory_space<hbm>>) dst(%arg6 : memref<512x128xf32, #tpu.memory_space<vmem>>)
    "tpu.region"() ({
      %run_scoped3A = tpu.sem_alloc : memref<!tpu.dma_semaphore, #tpu.memory_space<semaphore_mem>>
      %dma_start3A_33 = arith.constant 0 : i32
      %dma_start3A_34 = tpu.memref_slice %arg4[%add3A_4, %dma_start3A_33] : memref<65536x128xf32, #tpu.memory_space<hbm>> -> memref<512x128xf32, #tpu.memory_space<hbm>>
      %dma_start3A_35 = arith.constant 0 : i32
      %dma_start3A_36 = tpu.memref_slice %arg4[%add3A_4, %dma_start3A_35] : memref<65536x128xf32, #tpu.memory_space<hbm>> -> memref<512x128xf32, #tpu.memory_space<hbm>>
      tpu.enqueue_dma source(%arg6 : memref<512x128xf32, #tpu.memory_space<vmem>>) target(%dma_start3A_36 : memref<512x128xf32, #tpu.memory_space<hbm>>) target_semaphore(%run_scoped3A : memref<!tpu.dma_semaphore, #tpu.memory_space<semaphore_mem>>)
      %dma_wait3A_37 = arith.constant 0 : i32
      %dma_wait3A_38 = tpu.memref_slice %arg4[%add3A_4, %dma_wait3A_37] : memref<65536x128xf32, #tpu.memory_space<hbm>> -> memref<512x128xf32, #tpu.memory_space<hbm>>
      %dma_wait3A_39 = arith.constant 0 : i32
      %dma_wait3A_40 = tpu.memref_slice %arg4[%add3A_4, %dma_wait3A_39] : memref<65536x128xf32, #tpu.memory_space<hbm>> -> memref<512x128xf32, #tpu.memory_space<hbm>>
      tpu.wait_dma2 semaphore(%run_scoped3A : memref<!tpu.dma_semaphore, #tpu.memory_space<semaphore_mem>>) src(%arg6 : memref<512x128xf32, #tpu.memory_space<vmem>>) dst(%dma_wait3A_40 : memref<512x128xf32, #tpu.memory_space<hbm>>)
      tpu.yield
    }) : () -> ()
    %add3A_9 = arith.constant 512 : i32
    %add3A_10 = arith.addi %mul3A_2, %add3A_9 : i32
    "tpu.region"() ({
      %run_scoped3A = tpu.sem_alloc : memref<!tpu.dma_semaphore, #tpu.memory_space<semaphore_mem>>
      %dma_start3A_33 = tpu.memref_slice %arg3[%add3A_10] : memref<65536xi32, #tpu.memory_space<hbm>> -> memref<512xi32, #tpu.memory_space<hbm>>
      %dma_start3A_34 = tpu.memref_slice %arg3[%add3A_10] : memref<65536xi32, #tpu.memory_space<hbm>> -> memref<512xi32, #tpu.memory_space<hbm>>
      tpu.enqueue_dma source(%dma_start3A_34 : memref<512xi32, #tpu.memory_space<hbm>>) target(%arg5 : memref<512xi32, #tpu.memory_space<vmem>>) target_semaphore(%run_scoped3A : memref<!tpu.dma_semaphore, #tpu.memory_space<semaphore_mem>>)
      %dma_wait3A_35 = tpu.memref_slice %arg3[%add3A_10] : memref<65536xi32, #tpu.memory_space<hbm>> -> memref<512xi32, #tpu.memory_space<hbm>>
      %dma_wait3A_36 = tpu.memref_slice %arg3[%add3A_10] : memref<65536xi32, #tpu.memory_space<hbm>> -> memref<512xi32, #tpu.memory_space<hbm>>
      tpu.wait_dma2 semaphore(%run_scoped3A : memref<!tpu.dma_semaphore, #tpu.memory_space<semaphore_mem>>) src(%dma_wait3A_36 : memref<512xi32, #tpu.memory_space<hbm>>) dst(%arg5 : memref<512xi32, #tpu.memory_space<vmem>>)
      tpu.yield
    }) : () -> ()
    %dma_start3A_11 = arith.constant 0 : i32
    %dma_start3A_12 = arith.constant 0 : i32
    %dma_start3A_13 = tpu.memref_slice %arg2[%dma_start3A_11, %dma_start3A_12] : memref<262144x128xf32, #tpu.memory_space<hbm>> -> memref<262144x128xf32, #tpu.memory_space<hbm>>
    tpu.enqueue_indirect_dma source(%dma_start3A_13 : memref<262144x128xf32, #tpu.memory_space<hbm>>) target(%arg6 : memref<512x128xf32, #tpu.memory_space<vmem>>) offsets(%arg5 : memref<512xi32, #tpu.memory_space<vmem>>) semaphore(%arg7 : memref<!tpu.dma_semaphore, #tpu.memory_space<semaphore_mem>>)
    %dma_wait3A_14 = arith.constant 0 : i32
    %dma_wait3A_15 = arith.constant 0 : i32
    %dma_wait3A_16 = tpu.memref_slice %arg2[%dma_wait3A_14, %dma_wait3A_15] : memref<262144x128xf32, #tpu.memory_space<hbm>> -> memref<262144x128xf32, #tpu.memory_space<hbm>>
    tpu.wait_indirect_dma semaphore(%arg7 : memref<!tpu.dma_semaphore, #tpu.memory_space<semaphore_mem>>) src(%dma_wait3A_16 : memref<262144x128xf32, #tpu.memory_space<hbm>>) dst(%arg6 : memref<512x128xf32, #tpu.memory_space<vmem>>)
    "tpu.region"() ({
      %run_scoped3A = tpu.sem_alloc : memref<!tpu.dma_semaphore, #tpu.memory_space<semaphore_mem>>
      %dma_start3A_33 = arith.constant 0 : i32
      %dma_start3A_34 = tpu.memref_slice %arg4[%add3A_10, %dma_start3A_33] : memref<65536x128xf32, #tpu.memory_space<hbm>> -> memref<512x128xf32, #tpu.memory_space<hbm>>
      %dma_start3A_35 = arith.constant 0 : i32
      %dma_start3A_36 = tpu.memref_slice %arg4[%add3A_10, %dma_start3A_35] : memref<65536x128xf32, #tpu.memory_space<hbm>> -> memref<512x128xf32, #tpu.memory_space<hbm>>
      tpu.enqueue_dma source(%arg6 : memref<512x128xf32, #tpu.memory_space<vmem>>) target(%dma_start3A_36 : memref<512x128xf32, #tpu.memory_space<hbm>>) target_semaphore(%run_scoped3A : memref<!tpu.dma_semaphore, #tpu.memory_space<semaphore_mem>>)
      %dma_wait3A_37 = arith.constant 0 : i32
      %dma_wait3A_38 = tpu.memref_slice %arg4[%add3A_10, %dma_wait3A_37] : memref<65536x128xf32, #tpu.memory_space<hbm>> -> memref<512x128xf32, #tpu.memory_space<hbm>>
      %dma_wait3A_39 = arith.constant 0 : i32
      %dma_wait3A_40 = tpu.memref_slice %arg4[%add3A_10, %dma_wait3A_39] : memref<65536x128xf32, #tpu.memory_space<hbm>> -> memref<512x128xf32, #tpu.memory_space<hbm>>
      tpu.wait_dma2 semaphore(%run_scoped3A : memref<!tpu.dma_semaphore, #tpu.memory_space<semaphore_mem>>) src(%arg6 : memref<512x128xf32, #tpu.memory_space<vmem>>) dst(%dma_wait3A_40 : memref<512x128xf32, #tpu.memory_space<hbm>>)
      tpu.yield
    }) : () -> ()
    %add3A_17 = arith.constant 1024 : i32
    %add3A_18 = arith.addi %mul3A_2, %add3A_17 : i32
    "tpu.region"() ({
      %run_scoped3A = tpu.sem_alloc : memref<!tpu.dma_semaphore, #tpu.memory_space<semaphore_mem>>
      %dma_start3A_33 = tpu.memref_slice %arg3[%add3A_18] : memref<65536xi32, #tpu.memory_space<hbm>> -> memref<512xi32, #tpu.memory_space<hbm>>
      %dma_start3A_34 = tpu.memref_slice %arg3[%add3A_18] : memref<65536xi32, #tpu.memory_space<hbm>> -> memref<512xi32, #tpu.memory_space<hbm>>
      tpu.enqueue_dma source(%dma_start3A_34 : memref<512xi32, #tpu.memory_space<hbm>>) target(%arg5 : memref<512xi32, #tpu.memory_space<vmem>>) target_semaphore(%run_scoped3A : memref<!tpu.dma_semaphore, #tpu.memory_space<semaphore_mem>>)
      %dma_wait3A_35 = tpu.memref_slice %arg3[%add3A_18] : memref<65536xi32, #tpu.memory_space<hbm>> -> memref<512xi32, #tpu.memory_space<hbm>>
      %dma_wait3A_36 = tpu.memref_slice %arg3[%add3A_18] : memref<65536xi32, #tpu.memory_space<hbm>> -> memref<512xi32, #tpu.memory_space<hbm>>
      tpu.wait_dma2 semaphore(%run_scoped3A : memref<!tpu.dma_semaphore, #tpu.memory_space<semaphore_mem>>) src(%dma_wait3A_36 : memref<512xi32, #tpu.memory_space<hbm>>) dst(%arg5 : memref<512xi32, #tpu.memory_space<vmem>>)
      tpu.yield
    }) : () -> ()
    %dma_start3A_19 = arith.constant 0 : i32
    %dma_start3A_20 = arith.constant 0 : i32
    %dma_start3A_21 = tpu.memref_slice %arg2[%dma_start3A_19, %dma_start3A_20] : memref<262144x128xf32, #tpu.memory_space<hbm>> -> memref<262144x128xf32, #tpu.memory_space<hbm>>
    tpu.enqueue_indirect_dma source(%dma_start3A_21 : memref<262144x128xf32, #tpu.memory_space<hbm>>) target(%arg6 : memref<512x128xf32, #tpu.memory_space<vmem>>) offsets(%arg5 : memref<512xi32, #tpu.memory_space<vmem>>) semaphore(%arg7 : memref<!tpu.dma_semaphore, #tpu.memory_space<semaphore_mem>>)
    %dma_wait3A_22 = arith.constant 0 : i32
    %dma_wait3A_23 = arith.constant 0 : i32
    %dma_wait3A_24 = tpu.memref_slice %arg2[%dma_wait3A_22, %dma_wait3A_23] : memref<262144x128xf32, #tpu.memory_space<hbm>> -> memref<262144x128xf32, #tpu.memory_space<hbm>>
    tpu.wait_indirect_dma semaphore(%arg7 : memref<!tpu.dma_semaphore, #tpu.memory_space<semaphore_mem>>) src(%dma_wait3A_24 : memref<262144x128xf32, #tpu.memory_space<hbm>>) dst(%arg6 : memref<512x128xf32, #tpu.memory_space<vmem>>)
    "tpu.region"() ({
      %run_scoped3A = tpu.sem_alloc : memref<!tpu.dma_semaphore, #tpu.memory_space<semaphore_mem>>
      %dma_start3A_33 = arith.constant 0 : i32
      %dma_start3A_34 = tpu.memref_slice %arg4[%add3A_18, %dma_start3A_33] : memref<65536x128xf32, #tpu.memory_space<hbm>> -> memref<512x128xf32, #tpu.memory_space<hbm>>
      %dma_start3A_35 = arith.constant 0 : i32
      %dma_start3A_36 = tpu.memref_slice %arg4[%add3A_18, %dma_start3A_35] : memref<65536x128xf32, #tpu.memory_space<hbm>> -> memref<512x128xf32, #tpu.memory_space<hbm>>
      tpu.enqueue_dma source(%arg6 : memref<512x128xf32, #tpu.memory_space<vmem>>) target(%dma_start3A_36 : memref<512x128xf32, #tpu.memory_space<hbm>>) target_semaphore(%run_scoped3A : memref<!tpu.dma_semaphore, #tpu.memory_space<semaphore_mem>>)
      %dma_wait3A_37 = arith.constant 0 : i32
      %dma_wait3A_38 = tpu.memref_slice %arg4[%add3A_18, %dma_wait3A_37] : memref<65536x128xf32, #tpu.memory_space<hbm>> -> memref<512x128xf32, #tpu.memory_space<hbm>>
      %dma_wait3A_39 = arith.constant 0 : i32
      %dma_wait3A_40 = tpu.memref_slice %arg4[%add3A_18, %dma_wait3A_39] : memref<65536x128xf32, #tpu.memory_space<hbm>> -> memref<512x128xf32, #tpu.memory_space<hbm>>
      tpu.wait_dma2 semaphore(%run_scoped3A : memref<!tpu.dma_semaphore, #tpu.memory_space<semaphore_mem>>) src(%arg6 : memref<512x128xf32, #tpu.memory_space<vmem>>) dst(%dma_wait3A_40 : memref<512x128xf32, #tpu.memory_space<hbm>>)
      tpu.yield
    }) : () -> ()
    %add3A_25 = arith.constant 1536 : i32
    %add3A_26 = arith.addi %mul3A_2, %add3A_25 : i32
    "tpu.region"() ({
      %run_scoped3A = tpu.sem_alloc : memref<!tpu.dma_semaphore, #tpu.memory_space<semaphore_mem>>
      %dma_start3A_33 = tpu.memref_slice %arg3[%add3A_26] : memref<65536xi32, #tpu.memory_space<hbm>> -> memref<512xi32, #tpu.memory_space<hbm>>
      %dma_start3A_34 = tpu.memref_slice %arg3[%add3A_26] : memref<65536xi32, #tpu.memory_space<hbm>> -> memref<512xi32, #tpu.memory_space<hbm>>
      tpu.enqueue_dma source(%dma_start3A_34 : memref<512xi32, #tpu.memory_space<hbm>>) target(%arg5 : memref<512xi32, #tpu.memory_space<vmem>>) target_semaphore(%run_scoped3A : memref<!tpu.dma_semaphore, #tpu.memory_space<semaphore_mem>>)
      %dma_wait3A_35 = tpu.memref_slice %arg3[%add3A_26] : memref<65536xi32, #tpu.memory_space<hbm>> -> memref<512xi32, #tpu.memory_space<hbm>>
      %dma_wait3A_36 = tpu.memref_slice %arg3[%add3A_26] : memref<65536xi32, #tpu.memory_space<hbm>> -> memref<512xi32, #tpu.memory_space<hbm>>
      tpu.wait_dma2 semaphore(%run_scoped3A : memref<!tpu.dma_semaphore, #tpu.memory_space<semaphore_mem>>) src(%dma_wait3A_36 : memref<512xi32, #tpu.memory_space<hbm>>) dst(%arg5 : memref<512xi32, #tpu.memory_space<vmem>>)
      tpu.yield
    }) : () -> ()
    %dma_start3A_27 = arith.constant 0 : i32
    %dma_start3A_28 = arith.constant 0 : i32
    %dma_start3A_29 = tpu.memref_slice %arg2[%dma_start3A_27, %dma_start3A_28] : memref<262144x128xf32, #tpu.memory_space<hbm>> -> memref<262144x128xf32, #tpu.memory_space<hbm>>
    tpu.enqueue_indirect_dma source(%dma_start3A_29 : memref<262144x128xf32, #tpu.memory_space<hbm>>) target(%arg6 : memref<512x128xf32, #tpu.memory_space<vmem>>) offsets(%arg5 : memref<512xi32, #tpu.memory_space<vmem>>) semaphore(%arg7 : memref<!tpu.dma_semaphore, #tpu.memory_space<semaphore_mem>>)
    %dma_wait3A_30 = arith.constant 0 : i32
    %dma_wait3A_31 = arith.constant 0 : i32
    %dma_wait3A_32 = tpu.memref_slice %arg2[%dma_wait3A_30, %dma_wait3A_31] : memref<262144x128xf32, #tpu.memory_space<hbm>> -> memref<262144x128xf32, #tpu.memory_space<hbm>>
    tpu.wait_indirect_dma semaphore(%arg7 : memref<!tpu.dma_semaphore, #tpu.memory_space<semaphore_mem>>) src(%dma_wait3A_32 : memref<262144x128xf32, #tpu.memory_space<hbm>>) dst(%arg6 : memref<512x128xf32, #tpu.memory_space<vmem>>)
    "tpu.region"() ({
      %run_scoped3A = tpu.sem_alloc : memref<!tpu.dma_semaphore, #tpu.memory_space<semaphore_mem>>
      %dma_start3A_33 = arith.constant 0 : i32
      %dma_start3A_34 = tpu.memref_slice %arg4[%add3A_26, %dma_start3A_33] : memref<65536x128xf32, #tpu.memory_space<hbm>> -> memref<512x128xf32, #tpu.memory_space<hbm>>
      %dma_start3A_35 = arith.constant 0 : i32
      %dma_start3A_36 = tpu.memref_slice %arg4[%add3A_26, %dma_start3A_35] : memref<65536x128xf32, #tpu.memory_space<hbm>> -> memref<512x128xf32, #tpu.memory_space<hbm>>
      tpu.enqueue_dma source(%arg6 : memref<512x128xf32, #tpu.memory_space<vmem>>) target(%dma_start3A_36 : memref<512x128xf32, #tpu.memory_space<hbm>>) target_semaphore(%run_scoped3A : memref<!tpu.dma_semaphore, #tpu.memory_space<semaphore_mem>>)
      %dma_wait3A_37 = arith.constant 0 : i32
      %dma_wait3A_38 = tpu.memref_slice %arg4[%add3A_26, %dma_wait3A_37] : memref<65536x128xf32, #tpu.memory_space<hbm>> -> memref<512x128xf32, #tpu.memory_space<hbm>>
      %dma_wait3A_39 = arith.constant 0 : i32
      %dma_wait3A_40 = tpu.memref_slice %arg4[%add3A_26, %dma_wait3A_39] : memref<65536x128xf32, #tpu.memory_space<hbm>> -> memref<512x128xf32, #tpu.memory_space<hbm>>
      tpu.wait_dma2 semaphore(%run_scoped3A : memref<!tpu.dma_semaphore, #tpu.memory_space<semaphore_mem>>) src(%arg6 : memref<512x128xf32, #tpu.memory_space<vmem>>) dst(%dma_wait3A_40 : memref<512x128xf32, #tpu.memory_space<hbm>>)
      tpu.yield
    }) : () -> ()
    return
  }
}

module attributes {stable_mosaic.version = 14 : i64} {
  func.func @_fps1_body(%arg0: i32, %arg1: memref<8x16384xf32, #tpu.memory_space<vmem>>, %arg2: memref<8x16384xf32, #tpu.memory_space<vmem>>, %arg3: memref<8x16384xf32, #tpu.memory_space<vmem>>, %arg4: memref<8x8x128xf32, #tpu.memory_space<vmem>>) attributes {dimension_semantics = [#tpu.dimension_semantics<parallel>], iteration_bounds = array<i64: 2>, scalar_prefetch = 0 : i64, scratch_operands = 0 : i64, tpu.core_type = #tpu.core_type<tc>, window_params = [{transform_indices = @transform_0, window_bounds = array<i64: 8, 16384>}, {transform_indices = @transform_1, window_bounds = array<i64: 8, 16384>}, {transform_indices = @transform_2, window_bounds = array<i64: 8, 16384>}, {transform_indices = @transform_3, window_bounds = array<i64: 8, 8, 128>}]} {
    %get3A = arith.constant 0 : index
    %get3A_0 = arith.constant 0 : index
    %get3A_1 = vector.load %arg1[%get3A, %get3A_0] : memref<8x16384xf32, #tpu.memory_space<vmem>>, vector<8x16384xf32>
    %get3A_2 = arith.constant 0 : index
    %get3A_3 = arith.constant 0 : index
    %get3A_4 = vector.load %arg2[%get3A_2, %get3A_3] : memref<8x16384xf32, #tpu.memory_space<vmem>>, vector<8x16384xf32>
    %get3A_5 = arith.constant 0 : index
    %get3A_6 = arith.constant 0 : index
    %get3A_7 = vector.load %arg3[%get3A_5, %get3A_6] : memref<8x16384xf32, #tpu.memory_space<vmem>>, vector<8x16384xf32>
    %iota3A = tpu.iota {dimensions = array<i32: 1>} : vector<8x16384xi32>
    %iota3A_8 = tpu.iota {dimensions = array<i32: 1>} : vector<8x128xi32>
    %broadcast_in_dim3A = arith.constant 1.000000e+10 : f32
    %broadcast_in_dim3A_9 = vector.broadcast %broadcast_in_dim3A : f32 to vector<8x16384xf32>
    %broadcast_in_dim3A_10 = arith.constant 0 : i32
    %broadcast_in_dim3A_11 = vector.broadcast %broadcast_in_dim3A_10 : i32 to vector<8x1xi32>
    %broadcast_in_dim3A_12 = arith.constant 0.000000e+00 : f32
    %broadcast_in_dim3A_13 = vector.broadcast %broadcast_in_dim3A_12 : f32 to vector<8x128xf32>
    %broadcast_in_dim3A_14 = arith.constant 0.000000e+00 : f32
    %broadcast_in_dim3A_15 = vector.broadcast %broadcast_in_dim3A_14 : f32 to vector<8x128xf32>
    %broadcast_in_dim3A_16 = arith.constant 0.000000e+00 : f32
    %broadcast_in_dim3A_17 = vector.broadcast %broadcast_in_dim3A_16 : f32 to vector<8x128xf32>
    %scan3A = arith.constant 0 : i32
    %scan3A_18 = arith.constant 128 : i32
    %scan3A_19 = arith.addi %scan3A, %scan3A_18 : i32
    %scan3A_20 = arith.constant 1 : i32
    %scan3A_21:5 = scf.for %scan3A_31 = %scan3A to %scan3A_19 step %scan3A_20 iter_args(%scan3A_32 = %broadcast_in_dim3A_9, %scan3A_33 = %broadcast_in_dim3A_11, %scan3A_34 = %broadcast_in_dim3A_13, %scan3A_35 = %broadcast_in_dim3A_15, %scan3A_36 = %broadcast_in_dim3A_17) -> (vector<8x16384xf32>, vector<8x1xi32>, vector<8x128xf32>, vector<8x128xf32>, vector<8x128xf32>)  : i32 {
      %eq3A = vector.broadcast %scan3A_33 : vector<8x1xi32> to vector<8x16384xi32>
      %eq3A_37 = arith.cmpi eq, %iota3A, %eq3A : vector<8x16384xi32>
      %jit3A = arith.constant 0.000000e+00 : f32
      %broadcast_in_dim3A_38 = vector.broadcast %jit3A : f32 to vector<8x16384xf32>
      %select_n3A = arith.select %eq3A_37, %get3A_1, %broadcast_in_dim3A_38 : vector<8x16384xi1>, vector<8x16384xf32>
      %reduce_sum3A = arith.constant dense<0.000000e+00> : vector<8xf32>
      %reduce_sum3A_39 = vector.multi_reduction <add>, %select_n3A, %reduce_sum3A [1] : vector<8x16384xf32> to vector<8xf32>
      %broadcast_in_dim3A_40 = vector.shape_cast %reduce_sum3A_39 : vector<8xf32> to vector<8x1xf32>
      %jit3A_41 = arith.constant 0.000000e+00 : f32
      %broadcast_in_dim3A_42 = vector.broadcast %jit3A_41 : f32 to vector<8x16384xf32>
      %select_n3A_43 = arith.select %eq3A_37, %get3A_4, %broadcast_in_dim3A_42 : vector<8x16384xi1>, vector<8x16384xf32>
      %reduce_sum3A_44 = arith.constant dense<0.000000e+00> : vector<8xf32>
      %reduce_sum3A_45 = vector.multi_reduction <add>, %select_n3A_43, %reduce_sum3A_44 [1] : vector<8x16384xf32> to vector<8xf32>
      %broadcast_in_dim3A_46 = vector.shape_cast %reduce_sum3A_45 : vector<8xf32> to vector<8x1xf32>
      %jit3A_47 = arith.constant 0.000000e+00 : f32
      %broadcast_in_dim3A_48 = vector.broadcast %jit3A_47 : f32 to vector<8x16384xf32>
      %select_n3A_49 = arith.select %eq3A_37, %get3A_7, %broadcast_in_dim3A_48 : vector<8x16384xi1>, vector<8x16384xf32>
      %reduce_sum3A_50 = arith.constant dense<0.000000e+00> : vector<8xf32>
      %reduce_sum3A_51 = vector.multi_reduction <add>, %select_n3A_49, %reduce_sum3A_50 [1] : vector<8x16384xf32> to vector<8xf32>
      %broadcast_in_dim3A_52 = vector.shape_cast %reduce_sum3A_51 : vector<8xf32> to vector<8x1xf32>
      %sub3A = vector.broadcast %broadcast_in_dim3A_40 : vector<8x1xf32> to vector<8x16384xf32>
      %sub3A_53 = arith.subf %get3A_1, %sub3A : vector<8x16384xf32>
      %integer_pow3A = arith.mulf %sub3A_53, %sub3A_53 : vector<8x16384xf32>
      %sub3A_54 = vector.broadcast %broadcast_in_dim3A_46 : vector<8x1xf32> to vector<8x16384xf32>
      %sub3A_55 = arith.subf %get3A_4, %sub3A_54 : vector<8x16384xf32>
      %integer_pow3A_56 = arith.mulf %sub3A_55, %sub3A_55 : vector<8x16384xf32>
      %add3A = arith.addf %integer_pow3A, %integer_pow3A_56 : vector<8x16384xf32>
      %sub3A_57 = vector.broadcast %broadcast_in_dim3A_52 : vector<8x1xf32> to vector<8x16384xf32>
      %sub3A_58 = arith.subf %get3A_7, %sub3A_57 : vector<8x16384xf32>
      %integer_pow3A_59 = arith.mulf %sub3A_58, %sub3A_58 : vector<8x16384xf32>
      %add3A_60 = arith.addf %add3A, %integer_pow3A_59 : vector<8x16384xf32>
      %min3A = arith.minimumf %scan3A_32, %add3A_60 : vector<8x16384xf32>
      %reduce_max3A = arith.constant dense<0xFF800000> : vector<8xf32>
      %reduce_max3A_61 = vector.multi_reduction <maximumf>, %min3A, %reduce_max3A [1] : vector<8x16384xf32> to vector<8xf32>
      %broadcast_in_dim3A_62 = vector.shape_cast %reduce_max3A_61 : vector<8xf32> to vector<8x1xf32>
      %eq3A_63 = vector.broadcast %broadcast_in_dim3A_62 : vector<8x1xf32> to vector<8x16384xf32>
      %eq3A_64 = arith.cmpf oeq, %min3A, %eq3A_63 : vector<8x16384xf32>
      %jit3A_65 = arith.constant 1073741824 : i32
      %broadcast_in_dim3A_66 = vector.broadcast %jit3A_65 : i32 to vector<8x16384xi32>
      %select_n3A_67 = arith.select %eq3A_64, %iota3A, %broadcast_in_dim3A_66 : vector<8x16384xi1>, vector<8x16384xi32>
      %reduce_min3A = arith.constant dense<2147483647> : vector<8xi32>
      %reduce_min3A_68 = vector.multi_reduction <minsi>, %select_n3A_67, %reduce_min3A [1] : vector<8x16384xi32> to vector<8xi32>
      %broadcast_in_dim3A_69 = vector.shape_cast %reduce_min3A_68 : vector<8xi32> to vector<8x1xi32>
      %eq3A_70 = vector.broadcast %scan3A_31 : i32 to vector<8x128xi32>
      %eq3A_71 = arith.cmpi eq, %iota3A_8, %eq3A_70 : vector<8x128xi32>
      %broadcast_in_dim3A_72 = vector.shape_cast %broadcast_in_dim3A_40 : vector<8x1xf32> to vector<8x1xf32>
      %broadcast_in_dim3A_73 = vector.broadcast %broadcast_in_dim3A_72 : vector<8x1xf32> to vector<8x128xf32>
      %select_n3A_74 = arith.select %eq3A_71, %broadcast_in_dim3A_73, %scan3A_34 : vector<8x128xi1>, vector<8x128xf32>
      %broadcast_in_dim3A_75 = vector.shape_cast %broadcast_in_dim3A_46 : vector<8x1xf32> to vector<8x1xf32>
      %broadcast_in_dim3A_76 = vector.broadcast %broadcast_in_dim3A_75 : vector<8x1xf32> to vector<8x128xf32>
      %select_n3A_77 = arith.select %eq3A_71, %broadcast_in_dim3A_76, %scan3A_35 : vector<8x128xi1>, vector<8x128xf32>
      %broadcast_in_dim3A_78 = vector.shape_cast %broadcast_in_dim3A_52 : vector<8x1xf32> to vector<8x1xf32>
      %broadcast_in_dim3A_79 = vector.broadcast %broadcast_in_dim3A_78 : vector<8x1xf32> to vector<8x128xf32>
      %select_n3A_80 = arith.select %eq3A_71, %broadcast_in_dim3A_79, %scan3A_36 : vector<8x128xi1>, vector<8x128xf32>
      scf.yield %min3A, %broadcast_in_dim3A_69, %select_n3A_74, %select_n3A_77, %select_n3A_80 : vector<8x16384xf32>, vector<8x1xi32>, vector<8x128xf32>, vector<8x128xf32>, vector<8x128xf32>
    }
    %scan3A_22 = arith.constant 128 : i32
    %broadcast_in_dim3A_23 = vector.shape_cast %scan3A_21#2 : vector<8x128xf32> to vector<8x1x128xf32>
    %broadcast_in_dim3A_24 = vector.shape_cast %scan3A_21#3 : vector<8x128xf32> to vector<8x1x128xf32>
    %broadcast_in_dim3A_25 = vector.shape_cast %scan3A_21#4 : vector<8x128xf32> to vector<8x1x128xf32>
    %broadcast_in_dim3A_26 = arith.constant 0.000000e+00 : f32
    %broadcast_in_dim3A_27 = vector.broadcast %broadcast_in_dim3A_26 : f32 to vector<8x5x128xf32>
    %concatenate3A = tpu.concatenate %broadcast_in_dim3A_23, %broadcast_in_dim3A_24, %broadcast_in_dim3A_25, %broadcast_in_dim3A_27 in 1 : vector<8x1x128xf32>, vector<8x1x128xf32>, vector<8x1x128xf32>, vector<8x5x128xf32> -> vector<8x8x128xf32>
    %swap3A = arith.constant 0 : index
    %swap3A_28 = arith.constant 0 : index
    %swap3A_29 = arith.constant 0 : index
    %swap3A_30 = vector.load %arg4[%swap3A, %swap3A_28, %swap3A_29] : memref<8x8x128xf32, #tpu.memory_space<vmem>>, vector<8x8x128xf32>
    tpu.vector_store %arg4[%swap3A, %swap3A_28, %swap3A_29], %concatenate3A {strides = array<i32>} : memref<8x8x128xf32, #tpu.memory_space<vmem>>, vector<8x8x128xf32>,
    return
  }
  func.func @transform_0(%arg0: i32) -> (i32, i32) {
    %c0_i32 = arith.constant 0 : i32
    %c0_i32_0 = arith.constant 0 : i32
    return %arg0, %c0_i32 : i32, i32
  }
  func.func @transform_1(%arg0: i32) -> (i32, i32) {
    %c0_i32 = arith.constant 0 : i32
    %c0_i32_0 = arith.constant 0 : i32
    return %arg0, %c0_i32 : i32, i32
  }
  func.func @transform_2(%arg0: i32) -> (i32, i32) {
    %c0_i32 = arith.constant 0 : i32
    %c0_i32_0 = arith.constant 0 : i32
    return %arg0, %c0_i32 : i32, i32
  }
  func.func @transform_3(%arg0: i32) -> (i32, i32, i32) {
    %c0_i32 = arith.constant 0 : i32
    %c0_i32_0 = arith.constant 0 : i32
    %c0_i32_1 = arith.constant 0 : i32
    return %arg0, %c0_i32, %c0_i32_0 : i32, i32, i32
  }
}

module attributes {stable_mosaic.version = 14 : i64} {
  func.func @_knn1_body(%arg0: i32, %arg1: memref<1x8x128xf32, #tpu.memory_space<vmem>>, %arg2: memref<1x3x16384xf32, #tpu.memory_space<vmem>>, %arg3: memref<1x128x32xi32, #tpu.memory_space<vmem>>) attributes {dimension_semantics = [#tpu.dimension_semantics<parallel>], iteration_bounds = array<i64: 16>, scalar_prefetch = 0 : i64, scratch_operands = 0 : i64, tpu.core_type = #tpu.core_type<tc>, window_params = [{transform_indices = @transform_0, window_bounds = array<i64: 1, 8, 128>}, {transform_indices = @transform_1, window_bounds = array<i64: 1, 3, 16384>}, {transform_indices = @transform_2, window_bounds = array<i64: 1, 128, 32>}]} {
    %get3A = arith.constant 0 : index
    %get3A_0 = arith.constant 0 : index
    %get3A_1 = arith.constant 0 : index
    %get3A_2 = vector.load %arg1[%get3A, %get3A_0, %get3A_1] : memref<1x8x128xf32, #tpu.memory_space<vmem>>, vector<1x8x128xf32>
    %get3A_3 = vector.shape_cast %get3A_2 : vector<1x8x128xf32> to vector<8x128xf32>
    %slice3A = vector.extract_strided_slice %get3A_3 {offsets = [0, 0], sizes = [3, 128], strides = [1, 1]} : vector<8x128xf32> to vector<3x128xf32>
    %get3A_4 = arith.constant 0 : index
    %get3A_5 = arith.constant 0 : index
    %get3A_6 = arith.constant 0 : index
    %get3A_7 = vector.load %arg2[%get3A_4, %get3A_5, %get3A_6] : memref<1x3x16384xf32, #tpu.memory_space<vmem>>, vector<1x3x16384xf32>
    %get3A_8 = vector.shape_cast %get3A_7 : vector<1x3x16384xf32> to vector<3x16384xf32>
    %mul3A = arith.mulf %get3A_8, %get3A_8 : vector<3x16384xf32>
    %reduce_sum3A = arith.constant dense<0.000000e+00> : vector<16384xf32>
    %reduce_sum3A_9 = vector.multi_reduction <add>, %mul3A, %reduce_sum3A [0] : vector<3x16384xf32> to vector<16384xf32>
    %broadcast_in_dim3A = vector.shape_cast %reduce_sum3A_9 : vector<16384xf32> to vector<1x16384xf32>
    %dot_general3A = arith.constant dense<0.000000e+00> : vector<128x16384xf32>
    %dot_general3A_10 = tpu.matmul %slice3A, %get3A_8, %dot_general3A {dimension_numbers = #tpu.dot_dimension_numbers<[0], [0], [1], [1], [0, 1, 1, 1], [], []>, transpose_lhs_hint = false} : vector<3x128xf32>, vector<3x16384xf32>, vector<128x16384xf32> -> vector<128x16384xf32>
    %mul3A_11 = arith.mulf %slice3A, %slice3A : vector<3x128xf32>
    %broadcast_in_dim3A_12 = arith.constant 1.000000e+00 : f32
    %broadcast_in_dim3A_13 = vector.broadcast %broadcast_in_dim3A_12 : f32 to vector<3x1xf32>
    %dot_general3A_14 = arith.constant dense<0.000000e+00> : vector<128x1xf32>
    %dot_general3A_15 = tpu.matmul %mul3A_11, %broadcast_in_dim3A_13, %dot_general3A_14 {dimension_numbers = #tpu.dot_dimension_numbers<[0], [0], [1], [1], [0, 1, 1, 1], [], []>, transpose_lhs_hint = false} : vector<3x128xf32>, vector<3x1xf32>, vector<128x1xf32> -> vector<128x1xf32>
    %add3A = vector.broadcast %dot_general3A_15 : vector<128x1xf32> to vector<128x16384xf32>
    %add3A_16 = vector.broadcast %broadcast_in_dim3A : vector<1x16384xf32> to vector<128x16384xf32>
    %add3A_17 = arith.addf %add3A, %add3A_16 : vector<128x16384xf32>
    %mul3A_18 = arith.constant 2.000000e+00 : f32
    %mul3A_19 = vector.broadcast %mul3A_18 : f32 to vector<128x16384xf32>
    %mul3A_20 = arith.mulf %mul3A_19, %dot_general3A_10 : vector<128x16384xf32>
    %sub3A = arith.subf %add3A_17, %mul3A_20 : vector<128x16384xf32>
    %max3A = arith.constant 9.99999996E-13 : f32
    %max3A_21 = vector.broadcast %max3A : f32 to vector<128x16384xf32>
    %max3A_22 = arith.maximumf %sub3A, %max3A_21 : vector<128x16384xf32>
    %sqrt3A = math.sqrt %max3A_22 : vector<128x16384xf32>
    %iota3A = tpu.iota {dimensions = array<i32: 1>} : vector<128x16384xi32>
    %iota3A_23 = tpu.iota {dimensions = array<i32: 1>} : vector<128x32xi32>
    %broadcast_in_dim3A_24 = arith.constant -1.000000e+30 : f32
    %broadcast_in_dim3A_25 = vector.broadcast %broadcast_in_dim3A_24 : f32 to vector<128x1xf32>
    %broadcast_in_dim3A_26 = arith.constant -1 : i32
    %broadcast_in_dim3A_27 = vector.broadcast %broadcast_in_dim3A_26 : i32 to vector<128x1xi32>
    %broadcast_in_dim3A_28 = arith.constant 0 : i32
    %broadcast_in_dim3A_29 = vector.broadcast %broadcast_in_dim3A_28 : i32 to vector<128x32xi32>
    %scan3A = arith.constant 0 : i32
    %scan3A_30 = arith.constant 32 : i32
    %scan3A_31 = arith.addi %scan3A, %scan3A_30 : i32
    %scan3A_32 = arith.constant 1 : i32
    %scan3A_33:3 = scf.for %scan3A_43 = %scan3A to %scan3A_31 step %scan3A_32 iter_args(%scan3A_44 = %broadcast_in_dim3A_25, %scan3A_45 = %broadcast_in_dim3A_27, %scan3A_46 = %broadcast_in_dim3A_29) -> (vector<128x1xf32>, vector<128x1xi32>, vector<128x32xi32>)  : i32 {
      %gt3A = vector.broadcast %scan3A_44 : vector<128x1xf32> to vector<128x16384xf32>
      %gt3A_47 = arith.cmpf ogt, %sqrt3A, %gt3A : vector<128x16384xf32>
      %eq3A = vector.broadcast %scan3A_44 : vector<128x1xf32> to vector<128x16384xf32>
      %eq3A_48 = arith.cmpf oeq, %sqrt3A, %eq3A : vector<128x16384xf32>
      %gt3A_49 = vector.broadcast %scan3A_45 : vector<128x1xi32> to vector<128x16384xi32>
      %gt3A_50 = arith.cmpi sgt, %iota3A, %gt3A_49 : vector<128x16384xi32>
      %and3A = arith.andi %eq3A_48, %gt3A_50 : vector<128x16384xi1>
      %or3A = arith.ori %gt3A_47, %and3A : vector<128x16384xi1>
      %jit3A = arith.constant 1.000000e+30 : f32
      %broadcast_in_dim3A_51 = vector.broadcast %jit3A : f32 to vector<128x16384xf32>
      %select_n3A = arith.select %or3A, %sqrt3A, %broadcast_in_dim3A_51 : vector<128x16384xi1>, vector<128x16384xf32>
      %reduce_min3A = arith.constant dense<0x7F800000> : vector<128xf32>
      %reduce_min3A_52 = vector.multi_reduction <minimumf>, %select_n3A, %reduce_min3A [1] : vector<128x16384xf32> to vector<128xf32>
      %broadcast_in_dim3A_53 = vector.shape_cast %reduce_min3A_52 : vector<128xf32> to vector<128x1xf32>
      %eq3A_54 = vector.broadcast %broadcast_in_dim3A_53 : vector<128x1xf32> to vector<128x16384xf32>
      %eq3A_55 = arith.cmpf oeq, %sqrt3A, %eq3A_54 : vector<128x16384xf32>
      %and3A_56 = arith.andi %or3A, %eq3A_55 : vector<128x16384xi1>
      %jit3A_57 = arith.constant 1073741824 : i32
      %broadcast_in_dim3A_58 = vector.broadcast %jit3A_57 : i32 to vector<128x16384xi32>
      %select_n3A_59 = arith.select %and3A_56, %iota3A, %broadcast_in_dim3A_58 : vector<128x16384xi1>, vector<128x16384xi32>
      %reduce_min3A_60 = arith.constant dense<2147483647> : vector<128xi32>
      %reduce_min3A_61 = vector.multi_reduction <minsi>, %select_n3A_59, %reduce_min3A_60 [1] : vector<128x16384xi32> to vector<128xi32>
      %broadcast_in_dim3A_62 = vector.shape_cast %reduce_min3A_61 : vector<128xi32> to vector<128x1xi32>
      %eq3A_63 = vector.broadcast %scan3A_43 : i32 to vector<128x32xi32>
      %eq3A_64 = arith.cmpi eq, %iota3A_23, %eq3A_63 : vector<128x32xi32>
      %broadcast_in_dim3A_65 = vector.shape_cast %broadcast_in_dim3A_62 : vector<128x1xi32> to vector<128x1xi32>
      %broadcast_in_dim3A_66 = vector.broadcast %broadcast_in_dim3A_65 : vector<128x1xi32> to vector<128x32xi32>
      %select_n3A_67 = arith.select %eq3A_64, %broadcast_in_dim3A_66, %scan3A_46 : vector<128x32xi1>, vector<128x32xi32>
      scf.yield %broadcast_in_dim3A_53, %broadcast_in_dim3A_62, %select_n3A_67 : vector<128x1xf32>, vector<128x1xi32>, vector<128x32xi32>
    }
    %scan3A_34 = arith.constant 32 : i32
    %mul3A_35 = arith.constant 16384 : i32
    %mul3A_36 = arith.muli %arg0, %mul3A_35 : i32
    %add3A_37 = vector.broadcast %mul3A_36 : i32 to vector<128x32xi32>
    %add3A_38 = arith.addi %scan3A_33#2, %add3A_37 : vector<128x32xi32>
    %broadcast_in_dim3A_39 = vector.shape_cast %add3A_38 : vector<128x32xi32> to vector<1x128x32xi32>
    %swap3A = arith.constant 0 : index
    %swap3A_40 = arith.constant 0 : index
    %swap3A_41 = arith.constant 0 : index
    %swap3A_42 = vector.load %arg3[%swap3A, %swap3A_40, %swap3A_41] : memref<1x128x32xi32, #tpu.memory_space<vmem>>, vector<1x128x32xi32>
    tpu.vector_store %arg3[%swap3A, %swap3A_40, %swap3A_41], %broadcast_in_dim3A_39 {strides = array<i32>} : memref<1x128x32xi32, #tpu.memory_space<vmem>>, vector<1x128x32xi32>,
    return
  }
  func.func @transform_0(%arg0: i32) -> (i32, i32, i32) {
    %c0_i32 = arith.constant 0 : i32
    %c0_i32_0 = arith.constant 0 : i32
    %c0_i32_1 = arith.constant 0 : i32
    return %arg0, %c0_i32, %c0_i32_0 : i32, i32, i32
  }
  func.func @transform_1(%arg0: i32) -> (i32, i32, i32) {
    %c0_i32 = arith.constant 0 : i32
    %c0_i32_0 = arith.constant 0 : i32
    %c0_i32_1 = arith.constant 0 : i32
    return %arg0, %c0_i32, %c0_i32_0 : i32, i32, i32
  }
  func.func @transform_2(%arg0: i32) -> (i32, i32, i32) {
    %c0_i32 = arith.constant 0 : i32
    %c0_i32_0 = arith.constant 0 : i32
    %c0_i32_1 = arith.constant 0 : i32
    return %arg0, %c0_i32, %c0_i32_0 : i32, i32, i32
  }
}

module attributes {stable_mosaic.version = 14 : i64} {
  func.func @_c1_body(%arg0: i32, %arg1: memref<1x4096x128xf32, #tpu.memory_space<vmem>>, %arg2: memref<1x8x128xf32, #tpu.memory_space<vmem>>, %arg3: memref<64x128xf32, #tpu.memory_space<vmem>>, %arg4: memref<1x64xf32, #tpu.memory_space<vmem>>, %arg5: memref<1x4096x64xf32, #tpu.memory_space<vmem>>, %arg6: memref<1x8x256xf32, #tpu.memory_space<vmem>>) attributes {dimension_semantics = [#tpu.dimension_semantics<parallel>], iteration_bounds = array<i64: 16>, scalar_prefetch = 0 : i64, scratch_operands = 0 : i64, tpu.core_type = #tpu.core_type<tc>, window_params = [{transform_indices = @transform_0, window_bounds = array<i64: 1, 4096, 128>}, {transform_indices = @transform_1, window_bounds = array<i64: 1, 8, 128>}, {pipeline_mode = #tpu.pipeline_mode<synchronous>, transform_indices = @transform_2, window_bounds = array<i64: 64, 128>}, {pipeline_mode = #tpu.pipeline_mode<synchronous>, transform_indices = @transform_3, window_bounds = array<i64: 1, 64>}, {transform_indices = @transform_4, window_bounds = array<i64: 1, 4096, 64>}, {transform_indices = @transform_5, window_bounds = array<i64: 1, 8, 256>}]} {
    %get3A = arith.constant 0 : index
    %get3A_0 = arith.constant 0 : index
    %get3A_1 = arith.constant 0 : index
    %get3A_2 = vector.load %arg1[%get3A, %get3A_0, %get3A_1] : memref<1x4096x128xf32, #tpu.memory_space<vmem>>, vector<1x4096x128xf32>
    %get3A_3 = vector.shape_cast %get3A_2 : vector<1x4096x128xf32> to vector<4096x128xf32>
    %get3A_4 = arith.constant 0 : index
    %get3A_5 = arith.constant 0 : index
    %get3A_6 = arith.constant 0 : index
    %get3A_7 = vector.load %arg2[%get3A_4, %get3A_5, %get3A_6] : memref<1x8x128xf32, #tpu.memory_space<vmem>>, vector<1x8x128xf32>
    %get3A_8 = vector.shape_cast %get3A_7 : vector<1x8x128xf32> to vector<8x128xf32>
    %slice3A = vector.extract_strided_slice %get3A_8 {offsets = [0, 0], sizes = [3, 128], strides = [1, 1]} : vector<8x128xf32> to vector<3x128xf32>
    %get3A_9 = arith.constant 0 : index
    %get3A_10 = arith.constant 0 : index
    %get3A_11 = vector.load %arg3[%get3A_9, %get3A_10] : memref<64x128xf32, #tpu.memory_space<vmem>>, vector<64x128xf32>
    %dot_general3A = arith.constant dense<0.000000e+00> : vector<4096x64xf32>
    %dot_general3A_12 = tpu.matmul %get3A_3, %get3A_11, %dot_general3A {dimension_numbers = #tpu.dot_dimension_numbers<[1], [1], [0], [0], [0, 0, 1, 0], [], []>, transpose_lhs_hint = false} : vector<4096x128xf32>, vector<64x128xf32>, vector<4096x64xf32> -> vector<4096x64xf32>
    %slice3A_13 = vector.extract_strided_slice %get3A_11 {offsets = [0, 0], sizes = [64, 3], strides = [1, 1]} : vector<64x128xf32> to vector<64x3xf32>
    %dot_general3A_14 = arith.constant dense<0.000000e+00> : vector<128x64xf32>
    %dot_general3A_15 = tpu.matmul %slice3A, %slice3A_13, %dot_general3A_14 {dimension_numbers = #tpu.dot_dimension_numbers<[0], [1], [1], [0], [0, 1, 1, 0], [], []>, transpose_lhs_hint = false} : vector<3x128xf32>, vector<64x3xf32>, vector<128x64xf32> -> vector<128x64xf32>
    %reshape3A = vector.shape_cast %dot_general3A_12 : vector<4096x64xf32> to vector<128x32x64xf32>
    %broadcast_in_dim3A = vector.shape_cast %dot_general3A_15 : vector<128x64xf32> to vector<128x1x64xf32>
    %sub3A = vector.broadcast %broadcast_in_dim3A : vector<128x1x64xf32> to vector<128x32x64xf32>
    %sub3A_16 = arith.subf %reshape3A, %sub3A : vector<128x32x64xf32>
    %get3A_17 = arith.constant 0 : index
    %get3A_18 = arith.constant 0 : index
    %get3A_19 = vector.load %arg4[%get3A_17, %get3A_18] : memref<1x64xf32, #tpu.memory_space<vmem>>, vector<1x64xf32>
    %get3A_20 = vector.shape_cast %get3A_19 : vector<1x64xf32> to vector<64xf32>
    %broadcast_in_dim3A_21 = vector.shape_cast %get3A_20 : vector<64xf32> to vector<1x1x64xf32>
    %add3A = vector.broadcast %broadcast_in_dim3A_21 : vector<1x1x64xf32> to vector<128x32x64xf32>
    %add3A_22 = arith.addf %sub3A_16, %add3A : vector<128x32x64xf32>
    %reshape3A_23 = vector.shape_cast %add3A_22 : vector<128x32x64xf32> to vector<4096x64xf32>
    %swap3A = arith.constant 0 : index
    %swap3A_24 = arith.constant 0 : index
    %swap3A_25 = arith.constant 0 : index
    %swap3A_26 = vector.load %arg5[%swap3A, %swap3A_24, %swap3A_25] : memref<1x4096x64xf32, #tpu.memory_space<vmem>>, vector<1x4096x64xf32>
    %swap3A_27 = vector.shape_cast %swap3A_26 : vector<1x4096x64xf32> to vector<4096x64xf32>
    %swap3A_28 = vector.shape_cast %reshape3A_23 : vector<4096x64xf32> to vector<1x4096x64xf32>
    tpu.vector_store %arg5[%swap3A, %swap3A_24, %swap3A_25], %swap3A_28 {strides = array<i32>} : memref<1x4096x64xf32, #tpu.memory_space<vmem>>, vector<1x4096x64xf32>,
    %reduce_sum3A = arith.constant dense<0.000000e+00> : vector<64xf32>
    %reduce_sum3A_29 = vector.multi_reduction <add>, %reshape3A_23, %reduce_sum3A [0] : vector<4096x64xf32> to vector<64xf32>
    %mul3A = arith.mulf %reshape3A_23, %reshape3A_23 : vector<4096x64xf32>
    %reduce_sum3A_30 = arith.constant dense<0.000000e+00> : vector<64xf32>
    %reduce_sum3A_31 = vector.multi_reduction <add>, %mul3A, %reduce_sum3A_30 [0] : vector<4096x64xf32> to vector<64xf32>
    %broadcast_in_dim3A_32 = arith.constant 0.000000e+00 : f32
    %broadcast_in_dim3A_33 = vector.broadcast %broadcast_in_dim3A_32 : f32 to vector<192xf32>
    %concatenate3A = tpu.concatenate %reduce_sum3A_29, %broadcast_in_dim3A_33 in 0 : vector<64xf32>, vector<192xf32> -> vector<256xf32>
    %concatenate3A_34 = tpu.concatenate %reduce_sum3A_31, %broadcast_in_dim3A_33 in 0 : vector<64xf32>, vector<192xf32> -> vector<256xf32>
    %broadcast_in_dim3A_35 = vector.shape_cast %concatenate3A : vector<256xf32> to vector<1x256xf32>
    %broadcast_in_dim3A_36 = vector.shape_cast %concatenate3A_34 : vector<256xf32> to vector<1x256xf32>
    %broadcast_in_dim3A_37 = arith.constant 0.000000e+00 : f32
    %broadcast_in_dim3A_38 = vector.broadcast %broadcast_in_dim3A_37 : f32 to vector<6x256xf32>
    %concatenate3A_39 = tpu.concatenate %broadcast_in_dim3A_35, %broadcast_in_dim3A_36, %broadcast_in_dim3A_38 in 0 : vector<1x256xf32>, vector<1x256xf32>, vector<6x256xf32> -> vector<8x256xf32>
    %swap3A_40 = arith.constant 0 : index
    %swap3A_41 = arith.constant 0 : index
    %swap3A_42 = arith.constant 0 : index
    %swap3A_43 = vector.load %arg6[%swap3A_40, %swap3A_41, %swap3A_42] : memref<1x8x256xf32, #tpu.memory_space<vmem>>, vector<1x8x256xf32>
    %swap3A_44 = vector.shape_cast %swap3A_43 : vector<1x8x256xf32> to vector<8x256xf32>
    %swap3A_45 = vector.shape_cast %concatenate3A_39 : vector<8x256xf32> to vector<1x8x256xf32>
    tpu.vector_store %arg6[%swap3A_40, %swap3A_41, %swap3A_42], %swap3A_45 {strides = array<i32>} : memref<1x8x256xf32, #tpu.memory_space<vmem>>, vector<1x8x256xf32>,
    return
  }
  func.func @transform_0(%arg0: i32) -> (i32, i32, i32) {
    %c0_i32 = arith.constant 0 : i32
    %c0_i32_0 = arith.constant 0 : i32
    %c0_i32_1 = arith.constant 0 : i32
    return %arg0, %c0_i32, %c0_i32_0 : i32, i32, i32
  }
  func.func @transform_1(%arg0: i32) -> (i32, i32, i32) {
    %c0_i32 = arith.constant 0 : i32
    %c0_i32_0 = arith.constant 0 : i32
    %c0_i32_1 = arith.constant 0 : i32
    return %arg0, %c0_i32, %c0_i32_0 : i32, i32, i32
  }
  func.func @transform_2(%arg0: i32) -> (i32, i32) {
    %c0_i32 = arith.constant 0 : i32
    %c0_i32_0 = arith.constant 0 : i32
    %c0_i32_1 = arith.constant 0 : i32
    return %c0_i32, %c0_i32_0 : i32, i32
  }
  func.func @transform_3(%arg0: i32) -> (i32, i32) {
    %c0_i32 = arith.constant 0 : i32
    %c0_i32_0 = arith.constant 0 : i32
    %c0_i32_1 = arith.constant 0 : i32
    return %c0_i32, %c0_i32_0 : i32, i32
  }
  func.func @transform_4(%arg0: i32) -> (i32, i32, i32) {
    %c0_i32 = arith.constant 0 : i32
    %c0_i32_0 = arith.constant 0 : i32
    %c0_i32_1 = arith.constant 0 : i32
    return %arg0, %c0_i32, %c0_i32_0 : i32, i32, i32
  }
  func.func @transform_5(%arg0: i32) -> (i32, i32, i32) {
    %c0_i32 = arith.constant 0 : i32
    %c0_i32_0 = arith.constant 0 : i32
    %c0_i32_1 = arith.constant 0 : i32
    return %arg0, %c0_i32, %c0_i32_0 : i32, i32, i32
  }
}

module attributes {stable_mosaic.version = 14 : i64} {
  func.func @body(%arg0: i32, %arg1: memref<1x4096x64xf32, #tpu.memory_space<vmem>>, %arg2: memref<16x8x256xf32, #tpu.memory_space<vmem>>, %arg3: memref<64x64xf32, #tpu.memory_space<vmem>>, %arg4: memref<1x64xf32, #tpu.memory_space<vmem>>, %arg5: memref<1x4096x64xf32, #tpu.memory_space<vmem>>, %arg6: memref<1x8x256xf32, #tpu.memory_space<vmem>>) attributes {dimension_semantics = [#tpu.dimension_semantics<parallel>], iteration_bounds = array<i64: 16>, scalar_prefetch = 0 : i64, scratch_operands = 0 : i64, tpu.core_type = #tpu.core_type<tc>, window_params = [{transform_indices = @transform_0, window_bounds = array<i64: 1, 4096, 64>}, {pipeline_mode = #tpu.pipeline_mode<synchronous>, transform_indices = @transform_1, window_bounds = array<i64: 16, 8, 256>}, {pipeline_mode = #tpu.pipeline_mode<synchronous>, transform_indices = @transform_2, window_bounds = array<i64: 64, 64>}, {pipeline_mode = #tpu.pipeline_mode<synchronous>, transform_indices = @transform_3, window_bounds = array<i64: 1, 64>}, {transform_indices = @transform_4, window_bounds = array<i64: 1, 4096, 64>}, {transform_indices = @transform_5, window_bounds = array<i64: 1, 8, 256>}]} {
    %get3A = arith.constant 0 : index
    %get3A_0 = arith.constant 0 : index
    %get3A_1 = arith.constant 0 : index
    %get3A_2 = vector.load %arg1[%get3A, %get3A_0, %get3A_1] : memref<1x4096x64xf32, #tpu.memory_space<vmem>>, vector<1x4096x64xf32>
    %get3A_3 = vector.shape_cast %get3A_2 : vector<1x4096x64xf32> to vector<4096x64xf32>
    %get3A_4 = arith.constant 0 : index
    %get3A_5 = arith.constant 0 : index
    %get3A_6 = arith.constant 0 : index
    %get3A_7 = vector.load %arg2[%get3A_4, %get3A_5, %get3A_6] : memref<16x8x256xf32, #tpu.memory_space<vmem>>, vector<16x8x256xf32>
    %slice3A = vector.extract_strided_slice %get3A_7 {offsets = [0, 0, 0], sizes = [16, 1, 256], strides = [1, 1, 1]} : vector<16x8x256xf32> to vector<16x1x256xf32>
    %squeeze3A = vector.shape_cast %slice3A : vector<16x1x256xf32> to vector<16x256xf32>
    %reduce_sum3A = arith.constant dense<0.000000e+00> : vector<256xf32>
    %reduce_sum3A_8 = vector.multi_reduction <add>, %squeeze3A, %reduce_sum3A [0] : vector<16x256xf32> to vector<256xf32>
    %slice3A_9 = vector.extract_strided_slice %reduce_sum3A_8 {offsets = [0], sizes = [64], strides = [1]} : vector<256xf32> to vector<64xf32>
    %slice3A_10 = vector.extract_strided_slice %get3A_7 {offsets = [0, 1, 0], sizes = [16, 1, 256], strides = [1, 1, 1]} : vector<16x8x256xf32> to vector<16x1x256xf32>
    %squeeze3A_11 = vector.shape_cast %slice3A_10 : vector<16x1x256xf32> to vector<16x256xf32>
    %reduce_sum3A_12 = arith.constant dense<0.000000e+00> : vector<256xf32>
    %reduce_sum3A_13 = vector.multi_reduction <add>, %squeeze3A_11, %reduce_sum3A_12 [0] : vector<16x256xf32> to vector<256xf32>
    %slice3A_14 = vector.extract_strided_slice %reduce_sum3A_13 {offsets = [0], sizes = [64], strides = [1]} : vector<256xf32> to vector<64xf32>
    %div3A = arith.constant 6.553600e+04 : f32
    %div3A_15 = vector.broadcast %div3A : f32 to vector<64xf32>
    %div3A_16 = arith.divf %slice3A_9, %div3A_15 : vector<64xf32>
    %div3A_17 = arith.constant 6.553600e+04 : f32
    %div3A_18 = vector.broadcast %div3A_17 : f32 to vector<64xf32>
    %div3A_19 = arith.divf %slice3A_14, %div3A_18 : vector<64xf32>
    %mul3A = arith.mulf %div3A_16, %div3A_16 : vector<64xf32>
    %sub3A = arith.subf %div3A_19, %mul3A : vector<64xf32>
    %add3A = arith.constant 9.99999974E-6 : f32
    %add3A_20 = vector.broadcast %add3A : f32 to vector<64xf32>
    %add3A_21 = arith.addf %sub3A, %add3A_20 : vector<64xf32>
    %rsqrt3A = math.rsqrt %add3A_21 : vector<64xf32>
    %broadcast_in_dim3A = vector.shape_cast %div3A_16 : vector<64xf32> to vector<1x64xf32>
    %sub3A_22 = vector.broadcast %broadcast_in_dim3A : vector<1x64xf32> to vector<4096x64xf32>
    %sub3A_23 = arith.subf %get3A_3, %sub3A_22 : vector<4096x64xf32>
    %broadcast_in_dim3A_24 = vector.shape_cast %rsqrt3A : vector<64xf32> to vector<1x64xf32>
    %mul3A_25 = vector.broadcast %broadcast_in_dim3A_24 : vector<1x64xf32> to vector<4096x64xf32>
    %mul3A_26 = arith.mulf %sub3A_23, %mul3A_25 : vector<4096x64xf32>
    %max3A = arith.constant 0.000000e+00 : f32
    %max3A_27 = vector.broadcast %max3A : f32 to vector<4096x64xf32>
    %max3A_28 = arith.maximumf %mul3A_26, %max3A_27 : vector<4096x64xf32>
    %get3A_29 = arith.constant 0 : index
    %get3A_30 = arith.constant 0 : index
    %get3A_31 = vector.load %arg3[%get3A_29, %get3A_30] : memref<64x64xf32, #tpu.memory_space<vmem>>, vector<64x64xf32>
    %dot_general3A = arith.constant dense<0.000000e+00> : vector<4096x64xf32>
    %dot_general3A_32 = tpu.matmul %max3A_28, %get3A_31, %dot_general3A {dimension_numbers = #tpu.dot_dimension_numbers<[1], [1], [0], [0], [0, 0, 1, 0], [], []>, transpose_lhs_hint = false} : vector<4096x64xf32>, vector<64x64xf32>, vector<4096x64xf32> -> vector<4096x64xf32>
    %get3A_33 = arith.constant 0 : index
    %get3A_34 = arith.constant 0 : index
    %get3A_35 = vector.load %arg4[%get3A_33, %get3A_34] : memref<1x64xf32, #tpu.memory_space<vmem>>, vector<1x64xf32>
    %get3A_36 = vector.shape_cast %get3A_35 : vector<1x64xf32> to vector<64xf32>
    %broadcast_in_dim3A_37 = vector.shape_cast %get3A_36 : vector<64xf32> to vector<1x64xf32>
    %add3A_38 = vector.broadcast %broadcast_in_dim3A_37 : vector<1x64xf32> to vector<4096x64xf32>
    %add3A_39 = arith.addf %dot_general3A_32, %add3A_38 : vector<4096x64xf32>
    %swap3A = arith.constant 0 : index
    %swap3A_40 = arith.constant 0 : index
    %swap3A_41 = arith.constant 0 : index
    %swap3A_42 = vector.load %arg5[%swap3A, %swap3A_40, %swap3A_41] : memref<1x4096x64xf32, #tpu.memory_space<vmem>>, vector<1x4096x64xf32>
    %swap3A_43 = vector.shape_cast %swap3A_42 : vector<1x4096x64xf32> to vector<4096x64xf32>
    %swap3A_44 = vector.shape_cast %add3A_39 : vector<4096x64xf32> to vector<1x4096x64xf32>
    tpu.vector_store %arg5[%swap3A, %swap3A_40, %swap3A_41], %swap3A_44 {strides = array<i32>} : memref<1x4096x64xf32, #tpu.memory_space<vmem>>, vector<1x4096x64xf32>,
    %reduce_sum3A_45 = arith.constant dense<0.000000e+00> : vector<64xf32>
    %reduce_sum3A_46 = vector.multi_reduction <add>, %add3A_39, %reduce_sum3A_45 [0] : vector<4096x64xf32> to vector<64xf32>
    %mul3A_47 = arith.mulf %add3A_39, %add3A_39 : vector<4096x64xf32>
    %reduce_sum3A_48 = arith.constant dense<0.000000e+00> : vector<64xf32>
    %reduce_sum3A_49 = vector.multi_reduction <add>, %mul3A_47, %reduce_sum3A_48 [0] : vector<4096x64xf32> to vector<64xf32>
    %broadcast_in_dim3A_50 = arith.constant 0.000000e+00 : f32
    %broadcast_in_dim3A_51 = vector.broadcast %broadcast_in_dim3A_50 : f32 to vector<192xf32>
    %concatenate3A = tpu.concatenate %reduce_sum3A_46, %broadcast_in_dim3A_51 in 0 : vector<64xf32>, vector<192xf32> -> vector<256xf32>
    %concatenate3A_52 = tpu.concatenate %reduce_sum3A_49, %broadcast_in_dim3A_51 in 0 : vector<64xf32>, vector<192xf32> -> vector<256xf32>
    %broadcast_in_dim3A_53 = vector.shape_cast %concatenate3A : vector<256xf32> to vector<1x256xf32>
    %broadcast_in_dim3A_54 = vector.shape_cast %concatenate3A_52 : vector<256xf32> to vector<1x256xf32>
    %broadcast_in_dim3A_55 = arith.constant 0.000000e+00 : f32
    %broadcast_in_dim3A_56 = vector.broadcast %broadcast_in_dim3A_55 : f32 to vector<6x256xf32>
    %concatenate3A_57 = tpu.concatenate %broadcast_in_dim3A_53, %broadcast_in_dim3A_54, %broadcast_in_dim3A_56 in 0 : vector<1x256xf32>, vector<1x256xf32>, vector<6x256xf32> -> vector<8x256xf32>
    %swap3A_58 = arith.constant 0 : index
    %swap3A_59 = arith.constant 0 : index
    %swap3A_60 = arith.constant 0 : index
    %swap3A_61 = vector.load %arg6[%swap3A_58, %swap3A_59, %swap3A_60] : memref<1x8x256xf32, #tpu.memory_space<vmem>>, vector<1x8x256xf32>
    %swap3A_62 = vector.shape_cast %swap3A_61 : vector<1x8x256xf32> to vector<8x256xf32>
    %swap3A_63 = vector.shape_cast %concatenate3A_57 : vector<8x256xf32> to vector<1x8x256xf32>
    tpu.vector_store %arg6[%swap3A_58, %swap3A_59, %swap3A_60], %swap3A_63 {strides = array<i32>} : memref<1x8x256xf32, #tpu.memory_space<vmem>>, vector<1x8x256xf32>,
    return
  }
  func.func @transform_0(%arg0: i32) -> (i32, i32, i32) {
    %c0_i32 = arith.constant 0 : i32
    %c0_i32_0 = arith.constant 0 : i32
    %c0_i32_1 = arith.constant 0 : i32
    return %arg0, %c0_i32, %c0_i32_0 : i32, i32, i32
  }
  func.func @transform_1(%arg0: i32) -> (i32, i32, i32) {
    %c0_i32 = arith.constant 0 : i32
    %c0_i32_0 = arith.constant 0 : i32
    %c0_i32_1 = arith.constant 0 : i32
    %c0_i32_2 = arith.constant 0 : i32
    return %c0_i32, %c0_i32_0, %c0_i32_1 : i32, i32, i32
  }
  func.func @transform_2(%arg0: i32) -> (i32, i32) {
    %c0_i32 = arith.constant 0 : i32
    %c0_i32_0 = arith.constant 0 : i32
    %c0_i32_1 = arith.constant 0 : i32
    return %c0_i32, %c0_i32_0 : i32, i32
  }
  func.func @transform_3(%arg0: i32) -> (i32, i32) {
    %c0_i32 = arith.constant 0 : i32
    %c0_i32_0 = arith.constant 0 : i32
    %c0_i32_1 = arith.constant 0 : i32
    return %c0_i32, %c0_i32_0 : i32, i32
  }
  func.func @transform_4(%arg0: i32) -> (i32, i32, i32) {
    %c0_i32 = arith.constant 0 : i32
    %c0_i32_0 = arith.constant 0 : i32
    %c0_i32_1 = arith.constant 0 : i32
    return %arg0, %c0_i32, %c0_i32_0 : i32, i32, i32
  }
  func.func @transform_5(%arg0: i32) -> (i32, i32, i32) {
    %c0_i32 = arith.constant 0 : i32
    %c0_i32_0 = arith.constant 0 : i32
    %c0_i32_1 = arith.constant 0 : i32
    return %arg0, %c0_i32, %c0_i32_0 : i32, i32, i32
  }
}

module attributes {stable_mosaic.version = 14 : i64} {
  func.func @body(%arg0: i32, %arg1: memref<1x4096x64xf32, #tpu.memory_space<vmem>>, %arg2: memref<16x8x256xf32, #tpu.memory_space<vmem>>, %arg3: memref<128x64xf32, #tpu.memory_space<vmem>>, %arg4: memref<1x128xf32, #tpu.memory_space<vmem>>, %arg5: memref<1x4096x128xf32, #tpu.memory_space<vmem>>, %arg6: memref<1x8x256xf32, #tpu.memory_space<vmem>>) attributes {dimension_semantics = [#tpu.dimension_semantics<parallel>], iteration_bounds = array<i64: 16>, scalar_prefetch = 0 : i64, scratch_operands = 0 : i64, tpu.core_type = #tpu.core_type<tc>, window_params = [{transform_indices = @transform_0, window_bounds = array<i64: 1, 4096, 64>}, {pipeline_mode = #tpu.pipeline_mode<synchronous>, transform_indices = @transform_1, window_bounds = array<i64: 16, 8, 256>}, {pipeline_mode = #tpu.pipeline_mode<synchronous>, transform_indices = @transform_2, window_bounds = array<i64: 128, 64>}, {pipeline_mode = #tpu.pipeline_mode<synchronous>, transform_indices = @transform_3, window_bounds = array<i64: 1, 128>}, {transform_indices = @transform_4, window_bounds = array<i64: 1, 4096, 128>}, {transform_indices = @transform_5, window_bounds = array<i64: 1, 8, 256>}]} {
    %get3A = arith.constant 0 : index
    %get3A_0 = arith.constant 0 : index
    %get3A_1 = arith.constant 0 : index
    %get3A_2 = vector.load %arg1[%get3A, %get3A_0, %get3A_1] : memref<1x4096x64xf32, #tpu.memory_space<vmem>>, vector<1x4096x64xf32>
    %get3A_3 = vector.shape_cast %get3A_2 : vector<1x4096x64xf32> to vector<4096x64xf32>
    %get3A_4 = arith.constant 0 : index
    %get3A_5 = arith.constant 0 : index
    %get3A_6 = arith.constant 0 : index
    %get3A_7 = vector.load %arg2[%get3A_4, %get3A_5, %get3A_6] : memref<16x8x256xf32, #tpu.memory_space<vmem>>, vector<16x8x256xf32>
    %slice3A = vector.extract_strided_slice %get3A_7 {offsets = [0, 0, 0], sizes = [16, 1, 256], strides = [1, 1, 1]} : vector<16x8x256xf32> to vector<16x1x256xf32>
    %squeeze3A = vector.shape_cast %slice3A : vector<16x1x256xf32> to vector<16x256xf32>
    %reduce_sum3A = arith.constant dense<0.000000e+00> : vector<256xf32>
    %reduce_sum3A_8 = vector.multi_reduction <add>, %squeeze3A, %reduce_sum3A [0] : vector<16x256xf32> to vector<256xf32>
    %slice3A_9 = vector.extract_strided_slice %reduce_sum3A_8 {offsets = [0], sizes = [64], strides = [1]} : vector<256xf32> to vector<64xf32>
    %slice3A_10 = vector.extract_strided_slice %get3A_7 {offsets = [0, 1, 0], sizes = [16, 1, 256], strides = [1, 1, 1]} : vector<16x8x256xf32> to vector<16x1x256xf32>
    %squeeze3A_11 = vector.shape_cast %slice3A_10 : vector<16x1x256xf32> to vector<16x256xf32>
    %reduce_sum3A_12 = arith.constant dense<0.000000e+00> : vector<256xf32>
    %reduce_sum3A_13 = vector.multi_reduction <add>, %squeeze3A_11, %reduce_sum3A_12 [0] : vector<16x256xf32> to vector<256xf32>
    %slice3A_14 = vector.extract_strided_slice %reduce_sum3A_13 {offsets = [0], sizes = [64], strides = [1]} : vector<256xf32> to vector<64xf32>
    %div3A = arith.constant 6.553600e+04 : f32
    %div3A_15 = vector.broadcast %div3A : f32 to vector<64xf32>
    %div3A_16 = arith.divf %slice3A_9, %div3A_15 : vector<64xf32>
    %div3A_17 = arith.constant 6.553600e+04 : f32
    %div3A_18 = vector.broadcast %div3A_17 : f32 to vector<64xf32>
    %div3A_19 = arith.divf %slice3A_14, %div3A_18 : vector<64xf32>
    %mul3A = arith.mulf %div3A_16, %div3A_16 : vector<64xf32>
    %sub3A = arith.subf %div3A_19, %mul3A : vector<64xf32>
    %add3A = arith.constant 9.99999974E-6 : f32
    %add3A_20 = vector.broadcast %add3A : f32 to vector<64xf32>
    %add3A_21 = arith.addf %sub3A, %add3A_20 : vector<64xf32>
    %rsqrt3A = math.rsqrt %add3A_21 : vector<64xf32>
    %broadcast_in_dim3A = vector.shape_cast %div3A_16 : vector<64xf32> to vector<1x64xf32>
    %sub3A_22 = vector.broadcast %broadcast_in_dim3A : vector<1x64xf32> to vector<4096x64xf32>
    %sub3A_23 = arith.subf %get3A_3, %sub3A_22 : vector<4096x64xf32>
    %broadcast_in_dim3A_24 = vector.shape_cast %rsqrt3A : vector<64xf32> to vector<1x64xf32>
    %mul3A_25 = vector.broadcast %broadcast_in_dim3A_24 : vector<1x64xf32> to vector<4096x64xf32>
    %mul3A_26 = arith.mulf %sub3A_23, %mul3A_25 : vector<4096x64xf32>
    %max3A = arith.constant 0.000000e+00 : f32
    %max3A_27 = vector.broadcast %max3A : f32 to vector<4096x64xf32>
    %max3A_28 = arith.maximumf %mul3A_26, %max3A_27 : vector<4096x64xf32>
    %get3A_29 = arith.constant 0 : index
    %get3A_30 = arith.constant 0 : index
    %get3A_31 = vector.load %arg3[%get3A_29, %get3A_30] : memref<128x64xf32, #tpu.memory_space<vmem>>, vector<128x64xf32>
    %dot_general3A = arith.constant dense<0.000000e+00> : vector<4096x128xf32>
    %dot_general3A_32 = tpu.matmul %max3A_28, %get3A_31, %dot_general3A {dimension_numbers = #tpu.dot_dimension_numbers<[1], [1], [0], [0], [0, 0, 1, 0], [], []>, transpose_lhs_hint = false} : vector<4096x64xf32>, vector<128x64xf32>, vector<4096x128xf32> -> vector<4096x128xf32>
    %get3A_33 = arith.constant 0 : index
    %get3A_34 = arith.constant 0 : index
    %get3A_35 = vector.load %arg4[%get3A_33, %get3A_34] : memref<1x128xf32, #tpu.memory_space<vmem>>, vector<1x128xf32>
    %get3A_36 = vector.shape_cast %get3A_35 : vector<1x128xf32> to vector<128xf32>
    %broadcast_in_dim3A_37 = vector.shape_cast %get3A_36 : vector<128xf32> to vector<1x128xf32>
    %add3A_38 = vector.broadcast %broadcast_in_dim3A_37 : vector<1x128xf32> to vector<4096x128xf32>
    %add3A_39 = arith.addf %dot_general3A_32, %add3A_38 : vector<4096x128xf32>
    %swap3A = arith.constant 0 : index
    %swap3A_40 = arith.constant 0 : index
    %swap3A_41 = arith.constant 0 : index
    %swap3A_42 = vector.load %arg5[%swap3A, %swap3A_40, %swap3A_41] : memref<1x4096x128xf32, #tpu.memory_space<vmem>>, vector<1x4096x128xf32>
    %swap3A_43 = vector.shape_cast %swap3A_42 : vector<1x4096x128xf32> to vector<4096x128xf32>
    %swap3A_44 = vector.shape_cast %add3A_39 : vector<4096x128xf32> to vector<1x4096x128xf32>
    tpu.vector_store %arg5[%swap3A, %swap3A_40, %swap3A_41], %swap3A_44 {strides = array<i32>} : memref<1x4096x128xf32, #tpu.memory_space<vmem>>, vector<1x4096x128xf32>,
    %reduce_sum3A_45 = arith.constant dense<0.000000e+00> : vector<128xf32>
    %reduce_sum3A_46 = vector.multi_reduction <add>, %add3A_39, %reduce_sum3A_45 [0] : vector<4096x128xf32> to vector<128xf32>
    %mul3A_47 = arith.mulf %add3A_39, %add3A_39 : vector<4096x128xf32>
    %reduce_sum3A_48 = arith.constant dense<0.000000e+00> : vector<128xf32>
    %reduce_sum3A_49 = vector.multi_reduction <add>, %mul3A_47, %reduce_sum3A_48 [0] : vector<4096x128xf32> to vector<128xf32>
    %broadcast_in_dim3A_50 = arith.constant 0.000000e+00 : f32
    %broadcast_in_dim3A_51 = vector.broadcast %broadcast_in_dim3A_50 : f32 to vector<128xf32>
    %concatenate3A = tpu.concatenate %reduce_sum3A_46, %broadcast_in_dim3A_51 in 0 : vector<128xf32>, vector<128xf32> -> vector<256xf32>
    %concatenate3A_52 = tpu.concatenate %reduce_sum3A_49, %broadcast_in_dim3A_51 in 0 : vector<128xf32>, vector<128xf32> -> vector<256xf32>
    %broadcast_in_dim3A_53 = vector.shape_cast %concatenate3A : vector<256xf32> to vector<1x256xf32>
    %broadcast_in_dim3A_54 = vector.shape_cast %concatenate3A_52 : vector<256xf32> to vector<1x256xf32>
    %broadcast_in_dim3A_55 = arith.constant 0.000000e+00 : f32
    %broadcast_in_dim3A_56 = vector.broadcast %broadcast_in_dim3A_55 : f32 to vector<6x256xf32>
    %concatenate3A_57 = tpu.concatenate %broadcast_in_dim3A_53, %broadcast_in_dim3A_54, %broadcast_in_dim3A_56 in 0 : vector<1x256xf32>, vector<1x256xf32>, vector<6x256xf32> -> vector<8x256xf32>
    %swap3A_58 = arith.constant 0 : index
    %swap3A_59 = arith.constant 0 : index
    %swap3A_60 = arith.constant 0 : index
    %swap3A_61 = vector.load %arg6[%swap3A_58, %swap3A_59, %swap3A_60] : memref<1x8x256xf32, #tpu.memory_space<vmem>>, vector<1x8x256xf32>
    %swap3A_62 = vector.shape_cast %swap3A_61 : vector<1x8x256xf32> to vector<8x256xf32>
    %swap3A_63 = vector.shape_cast %concatenate3A_57 : vector<8x256xf32> to vector<1x8x256xf32>
    tpu.vector_store %arg6[%swap3A_58, %swap3A_59, %swap3A_60], %swap3A_63 {strides = array<i32>} : memref<1x8x256xf32, #tpu.memory_space<vmem>>, vector<1x8x256xf32>,
    return
  }
  func.func @transform_0(%arg0: i32) -> (i32, i32, i32) {
    %c0_i32 = arith.constant 0 : i32
    %c0_i32_0 = arith.constant 0 : i32
    %c0_i32_1 = arith.constant 0 : i32
    return %arg0, %c0_i32, %c0_i32_0 : i32, i32, i32
  }
  func.func @transform_1(%arg0: i32) -> (i32, i32, i32) {
    %c0_i32 = arith.constant 0 : i32
    %c0_i32_0 = arith.constant 0 : i32
    %c0_i32_1 = arith.constant 0 : i32
    %c0_i32_2 = arith.constant 0 : i32
    return %c0_i32, %c0_i32_0, %c0_i32_1 : i32, i32, i32
  }
  func.func @transform_2(%arg0: i32) -> (i32, i32) {
    %c0_i32 = arith.constant 0 : i32
    %c0_i32_0 = arith.constant 0 : i32
    %c0_i32_1 = arith.constant 0 : i32
    return %c0_i32, %c0_i32_0 : i32, i32
  }
  func.func @transform_3(%arg0: i32) -> (i32, i32) {
    %c0_i32 = arith.constant 0 : i32
    %c0_i32_0 = arith.constant 0 : i32
    %c0_i32_1 = arith.constant 0 : i32
    return %c0_i32, %c0_i32_0 : i32, i32
  }
  func.func @transform_4(%arg0: i32) -> (i32, i32, i32) {
    %c0_i32 = arith.constant 0 : i32
    %c0_i32_0 = arith.constant 0 : i32
    %c0_i32_1 = arith.constant 0 : i32
    return %arg0, %c0_i32, %c0_i32_0 : i32, i32, i32
  }
  func.func @transform_5(%arg0: i32) -> (i32, i32, i32) {
    %c0_i32 = arith.constant 0 : i32
    %c0_i32_0 = arith.constant 0 : i32
    %c0_i32_1 = arith.constant 0 : i32
    return %arg0, %c0_i32, %c0_i32_0 : i32, i32, i32
  }
}

module attributes {stable_mosaic.version = 14 : i64} {
  func.func @_pool1_body(%arg0: i32, %arg1: memref<1x4096x128xf32, #tpu.memory_space<vmem>>, %arg2: memref<16x8x256xf32, #tpu.memory_space<vmem>>, %arg3: memref<1x128x128xf32, #tpu.memory_space<vmem>>) attributes {dimension_semantics = [#tpu.dimension_semantics<parallel>], iteration_bounds = array<i64: 16>, scalar_prefetch = 0 : i64, scratch_operands = 0 : i64, tpu.core_type = #tpu.core_type<tc>, window_params = [{transform_indices = @transform_0, window_bounds = array<i64: 1, 4096, 128>}, {pipeline_mode = #tpu.pipeline_mode<synchronous>, transform_indices = @transform_1, window_bounds = array<i64: 16, 8, 256>}, {transform_indices = @transform_2, window_bounds = array<i64: 1, 128, 128>}]} {
    %get3A = arith.constant 0 : index
    %get3A_0 = arith.constant 0 : index
    %get3A_1 = arith.constant 0 : index
    %get3A_2 = vector.load %arg1[%get3A, %get3A_0, %get3A_1] : memref<1x4096x128xf32, #tpu.memory_space<vmem>>, vector<1x4096x128xf32>
    %get3A_3 = vector.shape_cast %get3A_2 : vector<1x4096x128xf32> to vector<4096x128xf32>
    %get3A_4 = arith.constant 0 : index
    %get3A_5 = arith.constant 0 : index
    %get3A_6 = arith.constant 0 : index
    %get3A_7 = vector.load %arg2[%get3A_4, %get3A_5, %get3A_6] : memref<16x8x256xf32, #tpu.memory_space<vmem>>, vector<16x8x256xf32>
    %slice3A = vector.extract_strided_slice %get3A_7 {offsets = [0, 0, 0], sizes = [16, 1, 256], strides = [1, 1, 1]} : vector<16x8x256xf32> to vector<16x1x256xf32>
    %squeeze3A = vector.shape_cast %slice3A : vector<16x1x256xf32> to vector<16x256xf32>
    %reduce_sum3A = arith.constant dense<0.000000e+00> : vector<256xf32>
    %reduce_sum3A_8 = vector.multi_reduction <add>, %squeeze3A, %reduce_sum3A [0] : vector<16x256xf32> to vector<256xf32>
    %slice3A_9 = vector.extract_strided_slice %reduce_sum3A_8 {offsets = [0], sizes = [128], strides = [1]} : vector<256xf32> to vector<128xf32>
    %slice3A_10 = vector.extract_strided_slice %get3A_7 {offsets = [0, 1, 0], sizes = [16, 1, 256], strides = [1, 1, 1]} : vector<16x8x256xf32> to vector<16x1x256xf32>
    %squeeze3A_11 = vector.shape_cast %slice3A_10 : vector<16x1x256xf32> to vector<16x256xf32>
    %reduce_sum3A_12 = arith.constant dense<0.000000e+00> : vector<256xf32>
    %reduce_sum3A_13 = vector.multi_reduction <add>, %squeeze3A_11, %reduce_sum3A_12 [0] : vector<16x256xf32> to vector<256xf32>
    %slice3A_14 = vector.extract_strided_slice %reduce_sum3A_13 {offsets = [0], sizes = [128], strides = [1]} : vector<256xf32> to vector<128xf32>
    %div3A = arith.constant 6.553600e+04 : f32
    %div3A_15 = vector.broadcast %div3A : f32 to vector<128xf32>
    %div3A_16 = arith.divf %slice3A_9, %div3A_15 : vector<128xf32>
    %div3A_17 = arith.constant 6.553600e+04 : f32
    %div3A_18 = vector.broadcast %div3A_17 : f32 to vector<128xf32>
    %div3A_19 = arith.divf %slice3A_14, %div3A_18 : vector<128xf32>
    %mul3A = arith.mulf %div3A_16, %div3A_16 : vector<128xf32>
    %sub3A = arith.subf %div3A_19, %mul3A : vector<128xf32>
    %add3A = arith.constant 9.99999974E-6 : f32
    %add3A_20 = vector.broadcast %add3A : f32 to vector<128xf32>
    %add3A_21 = arith.addf %sub3A, %add3A_20 : vector<128xf32>
    %rsqrt3A = math.rsqrt %add3A_21 : vector<128xf32>
    %broadcast_in_dim3A = vector.shape_cast %div3A_16 : vector<128xf32> to vector<1x128xf32>
    %sub3A_22 = vector.broadcast %broadcast_in_dim3A : vector<1x128xf32> to vector<4096x128xf32>
    %sub3A_23 = arith.subf %get3A_3, %sub3A_22 : vector<4096x128xf32>
    %broadcast_in_dim3A_24 = vector.shape_cast %rsqrt3A : vector<128xf32> to vector<1x128xf32>
    %mul3A_25 = vector.broadcast %broadcast_in_dim3A_24 : vector<1x128xf32> to vector<4096x128xf32>
    %mul3A_26 = arith.mulf %sub3A_23, %mul3A_25 : vector<4096x128xf32>
    %max3A = arith.constant 0.000000e+00 : f32
    %max3A_27 = vector.broadcast %max3A : f32 to vector<4096x128xf32>
    %max3A_28 = arith.maximumf %mul3A_26, %max3A_27 : vector<4096x128xf32>
    %reshape3A = vector.shape_cast %max3A_28 : vector<4096x128xf32> to vector<128x32x128xf32>
    %reduce_max3A = arith.constant dense<0xFF800000> : vector<128x128xf32>
    %reduce_max3A_29 = vector.multi_reduction <maximumf>, %reshape3A, %reduce_max3A [1] : vector<128x32x128xf32> to vector<128x128xf32>
    %swap3A = arith.constant 0 : index
    %swap3A_30 = arith.constant 0 : index
    %swap3A_31 = arith.constant 0 : index
    %swap3A_32 = vector.load %arg3[%swap3A, %swap3A_30, %swap3A_31] : memref<1x128x128xf32, #tpu.memory_space<vmem>>, vector<1x128x128xf32>
    %swap3A_33 = vector.shape_cast %swap3A_32 : vector<1x128x128xf32> to vector<128x128xf32>
    %swap3A_34 = vector.shape_cast %reduce_max3A_29 : vector<128x128xf32> to vector<1x128x128xf32>
    tpu.vector_store %arg3[%swap3A, %swap3A_30, %swap3A_31], %swap3A_34 {strides = array<i32>} : memref<1x128x128xf32, #tpu.memory_space<vmem>>, vector<1x128x128xf32>,
    return
  }
  func.func @transform_0(%arg0: i32) -> (i32, i32, i32) {
    %c0_i32 = arith.constant 0 : i32
    %c0_i32_0 = arith.constant 0 : i32
    %c0_i32_1 = arith.constant 0 : i32
    return %arg0, %c0_i32, %c0_i32_0 : i32, i32, i32
  }
  func.func @transform_1(%arg0: i32) -> (i32, i32, i32) {
    %c0_i32 = arith.constant 0 : i32
    %c0_i32_0 = arith.constant 0 : i32
    %c0_i32_1 = arith.constant 0 : i32
    %c0_i32_2 = arith.constant 0 : i32
    return %c0_i32, %c0_i32_0, %c0_i32_1 : i32, i32, i32
  }
  func.func @transform_2(%arg0: i32) -> (i32, i32, i32) {
    %c0_i32 = arith.constant 0 : i32
    %c0_i32_0 = arith.constant 0 : i32
    %c0_i32_1 = arith.constant 0 : i32
    return %arg0, %c0_i32, %c0_i32_0 : i32, i32, i32
  }
}

module attributes {stable_mosaic.version = 14 : i64} {
  func.func @_sa2a_body(%arg0: i32, %arg1: memref<1x128x128xf32, #tpu.memory_space<vmem>>, %arg2: memref<1x8x128xf32, #tpu.memory_space<vmem>>, %arg3: memref<128x131xf32, #tpu.memory_space<vmem>>, %arg4: memref<1x128xf32, #tpu.memory_space<vmem>>, %arg5: memref<1x2048x128xf32, #tpu.memory_space<vmem>>, %arg6: memref<1x8x256xf32, #tpu.memory_space<vmem>>) attributes {dimension_semantics = [#tpu.dimension_semantics<parallel>], iteration_bounds = array<i64: 16>, scalar_prefetch = 0 : i64, scratch_operands = 0 : i64, tpu.core_type = #tpu.core_type<tc>, window_params = [{transform_indices = @transform_0, window_bounds = array<i64: 1, 128, 128>}, {transform_indices = @transform_1, window_bounds = array<i64: 1, 8, 128>}, {pipeline_mode = #tpu.pipeline_mode<synchronous>, transform_indices = @transform_2, window_bounds = array<i64: 128, 131>}, {pipeline_mode = #tpu.pipeline_mode<synchronous>, transform_indices = @transform_3, window_bounds = array<i64: 1, 128>}, {transform_indices = @transform_4, window_bounds = array<i64: 1, 2048, 128>}, {transform_indices = @transform_5, window_bounds = array<i64: 1, 8, 256>}]} {
    %get3A = arith.constant 0 : index
    %get3A_0 = arith.constant 0 : index
    %get3A_1 = arith.constant 0 : index
    %get3A_2 = vector.load %arg1[%get3A, %get3A_0, %get3A_1] : memref<1x128x128xf32, #tpu.memory_space<vmem>>, vector<1x128x128xf32>
    %get3A_3 = vector.shape_cast %get3A_2 : vector<1x128x128xf32> to vector<128x128xf32>
    %get3A_4 = arith.constant 0 : index
    %get3A_5 = arith.constant 0 : index
    %get3A_6 = arith.constant 0 : index
    %get3A_7 = vector.load %arg2[%get3A_4, %get3A_5, %get3A_6] : memref<1x8x128xf32, #tpu.memory_space<vmem>>, vector<1x8x128xf32>
    %get3A_8 = vector.shape_cast %get3A_7 : vector<1x8x128xf32> to vector<8x128xf32>
    %slice3A = vector.extract_strided_slice %get3A_8 {offsets = [0, 0], sizes = [1, 128], strides = [1, 1]} : vector<8x128xf32> to vector<1x128xf32>
    %slice3A_9 = vector.extract_strided_slice %get3A_8 {offsets = [1, 0], sizes = [1, 128], strides = [1, 1]} : vector<8x128xf32> to vector<1x128xf32>
    %slice3A_10 = vector.extract_strided_slice %get3A_8 {offsets = [2, 0], sizes = [1, 128], strides = [1, 1]} : vector<8x128xf32> to vector<1x128xf32>
    %iota3A = tpu.iota {dimensions = array<i32: 1>} : vector<1x128xi32>
    %iota3A_11 = tpu.iota {dimensions = array<i32: 0>} : vector<32x1xi32>
    %broadcast_in_dim3A = arith.constant 1.000000e+10 : f32
    %broadcast_in_dim3A_12 = vector.broadcast %broadcast_in_dim3A : f32 to vector<1x128xf32>
    %broadcast_in_dim3A_13 = arith.constant 0 : i32
    %broadcast_in_dim3A_14 = vector.broadcast %broadcast_in_dim3A_13 : i32 to vector<1x1xi32>
    %broadcast_in_dim3A_15 = arith.constant 0.000000e+00 : f32
    %broadcast_in_dim3A_16 = vector.broadcast %broadcast_in_dim3A_15 : f32 to vector<32x1xf32>
    %broadcast_in_dim3A_17 = arith.constant 0.000000e+00 : f32
    %broadcast_in_dim3A_18 = vector.broadcast %broadcast_in_dim3A_17 : f32 to vector<32x1xf32>
    %broadcast_in_dim3A_19 = arith.constant 0.000000e+00 : f32
    %broadcast_in_dim3A_20 = vector.broadcast %broadcast_in_dim3A_19 : f32 to vector<32x1xf32>
    %scan3A = arith.constant 0 : i32
    %scan3A_21 = arith.constant 32 : i32
    %scan3A_22 = arith.addi %scan3A, %scan3A_21 : i32
    %scan3A_23 = arith.constant 1 : i32
    %scan3A_24:5 = scf.for %scan3A_106 = %scan3A to %scan3A_22 step %scan3A_23 iter_args(%scan3A_107 = %broadcast_in_dim3A_12, %scan3A_108 = %broadcast_in_dim3A_14, %scan3A_109 = %broadcast_in_dim3A_16, %scan3A_110 = %broadcast_in_dim3A_18, %scan3A_111 = %broadcast_in_dim3A_20) -> (vector<1x128xf32>, vector<1x1xi32>, vector<32x1xf32>, vector<32x1xf32>, vector<32x1xf32>)  : i32 {
      %eq3A = vector.broadcast %scan3A_108 : vector<1x1xi32> to vector<1x128xi32>
      %eq3A_112 = arith.cmpi eq, %iota3A, %eq3A : vector<1x128xi32>
      %jit3A = arith.constant 0.000000e+00 : f32
      %broadcast_in_dim3A_113 = vector.broadcast %jit3A : f32 to vector<1x128xf32>
      %select_n3A = arith.select %eq3A_112, %slice3A, %broadcast_in_dim3A_113 : vector<1x128xi1>, vector<1x128xf32>
      %reduce_sum3A_114 = arith.constant dense<0.000000e+00> : vector<1xf32>
      %reduce_sum3A_115 = vector.multi_reduction <add>, %select_n3A, %reduce_sum3A_114 [1] : vector<1x128xf32> to vector<1xf32>
      %broadcast_in_dim3A_116 = vector.shape_cast %reduce_sum3A_115 : vector<1xf32> to vector<1x1xf32>
      %jit3A_117 = arith.constant 0.000000e+00 : f32
      %broadcast_in_dim3A_118 = vector.broadcast %jit3A_117 : f32 to vector<1x128xf32>
      %select_n3A_119 = arith.select %eq3A_112, %slice3A_9, %broadcast_in_dim3A_118 : vector<1x128xi1>, vector<1x128xf32>
      %reduce_sum3A_120 = arith.constant dense<0.000000e+00> : vector<1xf32>
      %reduce_sum3A_121 = vector.multi_reduction <add>, %select_n3A_119, %reduce_sum3A_120 [1] : vector<1x128xf32> to vector<1xf32>
      %broadcast_in_dim3A_122 = vector.shape_cast %reduce_sum3A_121 : vector<1xf32> to vector<1x1xf32>
      %jit3A_123 = arith.constant 0.000000e+00 : f32
      %broadcast_in_dim3A_124 = vector.broadcast %jit3A_123 : f32 to vector<1x128xf32>
      %select_n3A_125 = arith.select %eq3A_112, %slice3A_10, %broadcast_in_dim3A_124 : vector<1x128xi1>, vector<1x128xf32>
      %reduce_sum3A_126 = arith.constant dense<0.000000e+00> : vector<1xf32>
      %reduce_sum3A_127 = vector.multi_reduction <add>, %select_n3A_125, %reduce_sum3A_126 [1] : vector<1x128xf32> to vector<1xf32>
      %broadcast_in_dim3A_128 = vector.shape_cast %reduce_sum3A_127 : vector<1xf32> to vector<1x1xf32>
      %sub3A_129 = vector.broadcast %broadcast_in_dim3A_116 : vector<1x1xf32> to vector<1x128xf32>
      %sub3A_130 = arith.subf %slice3A, %sub3A_129 : vector<1x128xf32>
      %integer_pow3A = arith.mulf %sub3A_130, %sub3A_130 : vector<1x128xf32>
      %sub3A_131 = vector.broadcast %broadcast_in_dim3A_122 : vector<1x1xf32> to vector<1x128xf32>
      %sub3A_132 = arith.subf %slice3A_9, %sub3A_131 : vector<1x128xf32>
      %integer_pow3A_133 = arith.mulf %sub3A_132, %sub3A_132 : vector<1x128xf32>
      %add3A_134 = arith.addf %integer_pow3A, %integer_pow3A_133 : vector<1x128xf32>
      %sub3A_135 = vector.broadcast %broadcast_in_dim3A_128 : vector<1x1xf32> to vector<1x128xf32>
      %sub3A_136 = arith.subf %slice3A_10, %sub3A_135 : vector<1x128xf32>
      %integer_pow3A_137 = arith.mulf %sub3A_136, %sub3A_136 : vector<1x128xf32>
      %add3A_138 = arith.addf %add3A_134, %integer_pow3A_137 : vector<1x128xf32>
      %min3A = arith.minimumf %scan3A_107, %add3A_138 : vector<1x128xf32>
      %reduce_max3A = arith.constant dense<0xFF800000> : vector<1xf32>
      %reduce_max3A_139 = vector.multi_reduction <maximumf>, %min3A, %reduce_max3A [1] : vector<1x128xf32> to vector<1xf32>
      %broadcast_in_dim3A_140 = vector.shape_cast %reduce_max3A_139 : vector<1xf32> to vector<1x1xf32>
      %eq3A_141 = vector.broadcast %broadcast_in_dim3A_140 : vector<1x1xf32> to vector<1x128xf32>
      %eq3A_142 = arith.cmpf oeq, %min3A, %eq3A_141 : vector<1x128xf32>
      %jit3A_143 = arith.constant 1073741824 : i32
      %broadcast_in_dim3A_144 = vector.broadcast %jit3A_143 : i32 to vector<1x128xi32>
      %select_n3A_145 = arith.select %eq3A_142, %iota3A, %broadcast_in_dim3A_144 : vector<1x128xi1>, vector<1x128xi32>
      %reduce_min3A = arith.constant dense<2147483647> : vector<1xi32>
      %reduce_min3A_146 = vector.multi_reduction <minsi>, %select_n3A_145, %reduce_min3A [1] : vector<1x128xi32> to vector<1xi32>
      %broadcast_in_dim3A_147 = vector.shape_cast %reduce_min3A_146 : vector<1xi32> to vector<1x1xi32>
      %eq3A_148 = vector.broadcast %scan3A_106 : i32 to vector<32x1xi32>
      %eq3A_149 = arith.cmpi eq, %iota3A_11, %eq3A_148 : vector<32x1xi32>
      %broadcast_in_dim3A_150 = vector.shape_cast %broadcast_in_dim3A_116 : vector<1x1xf32> to vector<1x1xf32>
      %broadcast_in_dim3A_151 = vector.broadcast %broadcast_in_dim3A_150 : vector<1x1xf32> to vector<32x1xf32>
      %select_n3A_152 = arith.select %eq3A_149, %broadcast_in_dim3A_151, %scan3A_109 : vector<32x1xi1>, vector<32x1xf32>
      %broadcast_in_dim3A_153 = vector.shape_cast %broadcast_in_dim3A_122 : vector<1x1xf32> to vector<1x1xf32>
      %broadcast_in_dim3A_154 = vector.broadcast %broadcast_in_dim3A_153 : vector<1x1xf32> to vector<32x1xf32>
      %select_n3A_155 = arith.select %eq3A_149, %broadcast_in_dim3A_154, %scan3A_110 : vector<32x1xi1>, vector<32x1xf32>
      %broadcast_in_dim3A_156 = vector.shape_cast %broadcast_in_dim3A_128 : vector<1x1xf32> to vector<1x1xf32>
      %broadcast_in_dim3A_157 = vector.broadcast %broadcast_in_dim3A_156 : vector<1x1xf32> to vector<32x1xf32>
      %select_n3A_158 = arith.select %eq3A_149, %broadcast_in_dim3A_157, %scan3A_111 : vector<32x1xi1>, vector<32x1xf32>
      scf.yield %min3A, %broadcast_in_dim3A_147, %select_n3A_152, %select_n3A_155, %select_n3A_158 : vector<1x128xf32>, vector<1x1xi32>, vector<32x1xf32>, vector<32x1xf32>, vector<32x1xf32>
    }
    %scan3A_25 = arith.constant 32 : i32
    %concatenate3A = tpu.concatenate %scan3A_24#2, %scan3A_24#3, %scan3A_24#4 in 1 : vector<32x1xf32>, vector<32x1xf32>, vector<32x1xf32> -> vector<32x3xf32>
    %slice3A_26 = vector.extract_strided_slice %get3A_8 {offsets = [0, 0], sizes = [3, 128], strides = [1, 1]} : vector<8x128xf32> to vector<3x128xf32>
    %dot_general3A = arith.constant dense<0.000000e+00> : vector<32x128xf32>
    %dot_general3A_27 = tpu.matmul %concatenate3A, %slice3A_26, %dot_general3A {dimension_numbers = #tpu.dot_dimension_numbers<[1], [0], [0], [1], [0, 0, 1, 1], [], []>, transpose_lhs_hint = false} : vector<32x3xf32>, vector<3x128xf32>, vector<32x128xf32> -> vector<32x128xf32>
    %mul3A = arith.mulf %concatenate3A, %concatenate3A : vector<32x3xf32>
    %reduce_sum3A = arith.constant dense<0.000000e+00> : vector<32xf32>
    %reduce_sum3A_28 = vector.multi_reduction <add>, %mul3A, %reduce_sum3A [1] : vector<32x3xf32> to vector<32xf32>
    %broadcast_in_dim3A_29 = vector.shape_cast %reduce_sum3A_28 : vector<32xf32> to vector<32x1xf32>
    %mul3A_30 = arith.mulf %slice3A, %slice3A : vector<1x128xf32>
    %mul3A_31 = arith.mulf %slice3A_9, %slice3A_9 : vector<1x128xf32>
    %add3A = arith.addf %mul3A_30, %mul3A_31 : vector<1x128xf32>
    %mul3A_32 = arith.mulf %slice3A_10, %slice3A_10 : vector<1x128xf32>
    %add3A_33 = arith.addf %add3A, %mul3A_32 : vector<1x128xf32>
    %add3A_34 = vector.broadcast %broadcast_in_dim3A_29 : vector<32x1xf32> to vector<32x128xf32>
    %add3A_35 = vector.broadcast %add3A_33 : vector<1x128xf32> to vector<32x128xf32>
    %add3A_36 = arith.addf %add3A_34, %add3A_35 : vector<32x128xf32>
    %mul3A_37 = arith.constant 2.000000e+00 : f32
    %mul3A_38 = vector.broadcast %mul3A_37 : f32 to vector<32x128xf32>
    %mul3A_39 = arith.mulf %mul3A_38, %dot_general3A_27 : vector<32x128xf32>
    %sub3A = arith.subf %add3A_36, %mul3A_39 : vector<32x128xf32>
    %max3A = arith.constant 9.99999996E-13 : f32
    %max3A_40 = vector.broadcast %max3A : f32 to vector<32x128xf32>
    %max3A_41 = arith.maximumf %sub3A, %max3A_40 : vector<32x128xf32>
    %sqrt3A = math.sqrt %max3A_41 : vector<32x128xf32>
    %iota3A_42 = tpu.iota {dimensions = array<i32: 1>} : vector<32x128xi32>
    %iota3A_43 = tpu.iota {dimensions = array<i32: 1>} : vector<1x64x1xi32>
    %broadcast_in_dim3A_44 = arith.constant 0.000000e+00 : f32
    %broadcast_in_dim3A_45 = vector.broadcast %broadcast_in_dim3A_44 : f32 to vector<32x64x128xf32>
    %scan3A_46 = arith.constant 0 : i32
    %scan3A_47 = arith.constant 64 : i32
    %scan3A_48 = arith.addi %scan3A_46, %scan3A_47 : i32
    %scan3A_49 = arith.constant 1 : i32
    %scan3A_50:2 = scf.for %scan3A_106 = %scan3A_46 to %scan3A_48 step %scan3A_49 iter_args(%scan3A_107 = %sqrt3A, %scan3A_108 = %broadcast_in_dim3A_45) -> (vector<32x128xf32>, vector<32x64x128xf32>)  : i32 {
      %reduce_min3A = arith.constant dense<0x7F800000> : vector<32xf32>
      %reduce_min3A_109 = vector.multi_reduction <minimumf>, %scan3A_107, %reduce_min3A [1] : vector<32x128xf32> to vector<32xf32>
      %broadcast_in_dim3A_110 = vector.shape_cast %reduce_min3A_109 : vector<32xf32> to vector<32x1xf32>
      %eq3A = vector.broadcast %broadcast_in_dim3A_110 : vector<32x1xf32> to vector<32x128xf32>
      %eq3A_111 = arith.cmpf oeq, %scan3A_107, %eq3A : vector<32x128xf32>
      %jit3A = arith.constant 1073741824 : i32
      %broadcast_in_dim3A_112 = vector.broadcast %jit3A : i32 to vector<32x128xi32>
      %select_n3A = arith.select %eq3A_111, %iota3A_42, %broadcast_in_dim3A_112 : vector<32x128xi1>, vector<32x128xi32>
      %reduce_min3A_113 = arith.constant dense<2147483647> : vector<32xi32>
      %reduce_min3A_114 = vector.multi_reduction <minsi>, %select_n3A, %reduce_min3A_113 [1] : vector<32x128xi32> to vector<32xi32>
      %broadcast_in_dim3A_115 = vector.shape_cast %reduce_min3A_114 : vector<32xi32> to vector<32x1xi32>
      %eq3A_116 = vector.broadcast %broadcast_in_dim3A_115 : vector<32x1xi32> to vector<32x128xi32>
      %eq3A_117 = arith.cmpi eq, %iota3A_42, %eq3A_116 : vector<32x128xi32>
      %eq3A_118 = vector.broadcast %scan3A_106 : i32 to vector<1x64x1xi32>
      %eq3A_119 = arith.cmpi eq, %iota3A_43, %eq3A_118 : vector<1x64x1xi32>
      %broadcast_in_dim3A_120 = vector.shape_cast %eq3A_117 : vector<32x128xi1> to vector<32x1x128xi1>
      %convert_element_type3A = arith.extui %broadcast_in_dim3A_120 : vector<32x1x128xi1> to vector<32x1x128xi32>
      %convert_element_type3A_121 = arith.sitofp %convert_element_type3A : vector<32x1x128xi32> to vector<32x1x128xf32>
      %broadcast_in_dim3A_122 = vector.shape_cast %eq3A_119 : vector<1x64x1xi1> to vector<1x64x1xi1>
      %broadcast_in_dim3A_123 = vector.broadcast %broadcast_in_dim3A_122 : vector<1x64x1xi1> to vector<32x64x128xi1>
      %broadcast_in_dim3A_124 = vector.shape_cast %convert_element_type3A_121 : vector<32x1x128xf32> to vector<32x1x128xf32>
      %broadcast_in_dim3A_125 = vector.broadcast %broadcast_in_dim3A_124 : vector<32x1x128xf32> to vector<32x64x128xf32>
      %select_n3A_126 = arith.select %broadcast_in_dim3A_123, %broadcast_in_dim3A_125, %scan3A_108 : vector<32x64x128xi1>, vector<32x64x128xf32>
      %jit3A_127 = arith.constant 1.000000e+30 : f32
      %broadcast_in_dim3A_128 = vector.broadcast %jit3A_127 : f32 to vector<32x128xf32>
      %select_n3A_129 = arith.select %eq3A_117, %broadcast_in_dim3A_128, %scan3A_107 : vector<32x128xi1>, vector<32x128xf32>
      scf.yield %select_n3A_129, %select_n3A_126 : vector<32x128xf32>, vector<32x64x128xf32>
    }
    %scan3A_51 = arith.constant 64 : i32
    %reshape3A = vector.shape_cast %scan3A_50#1 : vector<32x64x128xf32> to vector<2048x128xf32>
    %dot_general3A_52 = arith.constant dense<0.000000e+00> : vector<2048x1xf32>
    %dot_general3A_53 = tpu.matmul %reshape3A, %slice3A, %dot_general3A_52 {dimension_numbers = #tpu.dot_dimension_numbers<[1], [1], [0], [0], [0, 0, 1, 0], [], []>, transpose_lhs_hint = false} : vector<2048x128xf32>, vector<1x128xf32>, vector<2048x1xf32> -> vector<2048x1xf32>
    %dot_general3A_54 = arith.constant dense<0.000000e+00> : vector<2048x1xf32>
    %dot_general3A_55 = tpu.matmul %reshape3A, %slice3A_9, %dot_general3A_54 {dimension_numbers = #tpu.dot_dimension_numbers<[1], [1], [0], [0], [0, 0, 1, 0], [], []>, transpose_lhs_hint = false} : vector<2048x128xf32>, vector<1x128xf32>, vector<2048x1xf32> -> vector<2048x1xf32>
    %dot_general3A_56 = arith.constant dense<0.000000e+00> : vector<2048x1xf32>
    %dot_general3A_57 = tpu.matmul %reshape3A, %slice3A_10, %dot_general3A_56 {dimension_numbers = #tpu.dot_dimension_numbers<[1], [1], [0], [0], [0, 0, 1, 0], [], []>, transpose_lhs_hint = false} : vector<2048x128xf32>, vector<1x128xf32>, vector<2048x1xf32> -> vector<2048x1xf32>
    %dot_general3A_58 = arith.constant dense<0.000000e+00> : vector<2048x128xf32>
    %dot_general3A_59 = tpu.matmul %reshape3A, %get3A_3, %dot_general3A_58 {dimension_numbers = #tpu.dot_dimension_numbers<[1], [1], [0], [0], [0, 0, 1, 0], [], []>, transpose_lhs_hint = false} : vector<2048x128xf32>, vector<128x128xf32>, vector<2048x128xf32> -> vector<2048x128xf32>
    %concatenate3A_60 = tpu.concatenate %dot_general3A_53, %dot_general3A_55, %dot_general3A_57, %dot_general3A_59 in 1 : vector<2048x1xf32>, vector<2048x1xf32>, vector<2048x1xf32>, vector<2048x128xf32> -> vector<2048x131xf32>
    %broadcast_in_dim3A_61 = arith.constant 0.000000e+00 : f32
    %broadcast_in_dim3A_62 = vector.broadcast %broadcast_in_dim3A_61 : f32 to vector<32x128xf32>
    %concatenate3A_63 = tpu.concatenate %scan3A_24#2, %scan3A_24#3, %scan3A_24#4, %broadcast_in_dim3A_62 in 1 : vector<32x1xf32>, vector<32x1xf32>, vector<32x1xf32>, vector<32x128xf32> -> vector<32x131xf32>
    %reshape3A_64 = vector.shape_cast %concatenate3A_60 : vector<2048x131xf32> to vector<32x64x131xf32>
    %broadcast_in_dim3A_65 = vector.shape_cast %concatenate3A_63 : vector<32x131xf32> to vector<32x1x131xf32>
    %sub3A_66 = vector.broadcast %broadcast_in_dim3A_65 : vector<32x1x131xf32> to vector<32x64x131xf32>
    %sub3A_67 = arith.subf %reshape3A_64, %sub3A_66 : vector<32x64x131xf32>
    %reshape3A_68 = vector.shape_cast %sub3A_67 : vector<32x64x131xf32> to vector<2048x131xf32>
    %get3A_69 = arith.constant 0 : index
    %get3A_70 = arith.constant 0 : index
    %get3A_71 = vector.load %arg3[%get3A_69, %get3A_70] : memref<128x131xf32, #tpu.memory_space<vmem>>, vector<128x131xf32>
    %dot_general3A_72 = arith.constant dense<0.000000e+00> : vector<2048x128xf32>
    %dot_general3A_73 = tpu.matmul %reshape3A_68, %get3A_71, %dot_general3A_72 {dimension_numbers = #tpu.dot_dimension_numbers<[1], [1], [0], [0], [0, 0, 1, 0], [], []>, transpose_lhs_hint = false} : vector<2048x131xf32>, vector<128x131xf32>, vector<2048x128xf32> -> vector<2048x128xf32>
    %get3A_74 = arith.constant 0 : index
    %get3A_75 = arith.constant 0 : index
    %get3A_76 = vector.load %arg4[%get3A_74, %get3A_75] : memref<1x128xf32, #tpu.memory_space<vmem>>, vector<1x128xf32>
    %get3A_77 = vector.shape_cast %get3A_76 : vector<1x128xf32> to vector<128xf32>
    %broadcast_in_dim3A_78 = vector.shape_cast %get3A_77 : vector<128xf32> to vector<1x128xf32>
    %add3A_79 = vector.broadcast %broadcast_in_dim3A_78 : vector<1x128xf32> to vector<2048x128xf32>
    %add3A_80 = arith.addf %dot_general3A_73, %add3A_79 : vector<2048x128xf32>
    %swap3A = arith.constant 0 : index
    %swap3A_81 = arith.constant 0 : index
    %swap3A_82 = arith.constant 0 : index
    %swap3A_83 = vector.load %arg5[%swap3A, %swap3A_81, %swap3A_82] : memref<1x2048x128xf32, #tpu.memory_space<vmem>>, vector<1x2048x128xf32>
    %swap3A_84 = vector.shape_cast %swap3A_83 : vector<1x2048x128xf32> to vector<2048x128xf32>
    %swap3A_85 = vector.shape_cast %add3A_80 : vector<2048x128xf32> to vector<1x2048x128xf32>
    tpu.vector_store %arg5[%swap3A, %swap3A_81, %swap3A_82], %swap3A_85 {strides = array<i32>} : memref<1x2048x128xf32, #tpu.memory_space<vmem>>, vector<1x2048x128xf32>,
    %reduce_sum3A_86 = arith.constant dense<0.000000e+00> : vector<128xf32>
    %reduce_sum3A_87 = vector.multi_reduction <add>, %add3A_80, %reduce_sum3A_86 [0] : vector<2048x128xf32> to vector<128xf32>
    %mul3A_88 = arith.mulf %add3A_80, %add3A_80 : vector<2048x128xf32>
    %reduce_sum3A_89 = arith.constant dense<0.000000e+00> : vector<128xf32>
    %reduce_sum3A_90 = vector.multi_reduction <add>, %mul3A_88, %reduce_sum3A_89 [0] : vector<2048x128xf32> to vector<128xf32>
    %broadcast_in_dim3A_91 = arith.constant 0.000000e+00 : f32
    %broadcast_in_dim3A_92 = vector.broadcast %broadcast_in_dim3A_91 : f32 to vector<128xf32>
    %concatenate3A_93 = tpu.concatenate %reduce_sum3A_87, %broadcast_in_dim3A_92 in 0 : vector<128xf32>, vector<128xf32> -> vector<256xf32>
    %concatenate3A_94 = tpu.concatenate %reduce_sum3A_90, %broadcast_in_dim3A_92 in 0 : vector<128xf32>, vector<128xf32> -> vector<256xf32>
    %broadcast_in_dim3A_95 = vector.shape_cast %concatenate3A_93 : vector<256xf32> to vector<1x256xf32>
    %broadcast_in_dim3A_96 = vector.shape_cast %concatenate3A_94 : vector<256xf32> to vector<1x256xf32>
    %broadcast_in_dim3A_97 = arith.constant 0.000000e+00 : f32
    %broadcast_in_dim3A_98 = vector.broadcast %broadcast_in_dim3A_97 : f32 to vector<6x256xf32>
    %concatenate3A_99 = tpu.concatenate %broadcast_in_dim3A_95, %broadcast_in_dim3A_96, %broadcast_in_dim3A_98 in 0 : vector<1x256xf32>, vector<1x256xf32>, vector<6x256xf32> -> vector<8x256xf32>
    %swap3A_100 = arith.constant 0 : index
    %swap3A_101 = arith.constant 0 : index
    %swap3A_102 = arith.constant 0 : index
    %swap3A_103 = vector.load %arg6[%swap3A_100, %swap3A_101, %swap3A_102] : memref<1x8x256xf32, #tpu.memory_space<vmem>>, vector<1x8x256xf32>
    %swap3A_104 = vector.shape_cast %swap3A_103 : vector<1x8x256xf32> to vector<8x256xf32>
    %swap3A_105 = vector.shape_cast %concatenate3A_99 : vector<8x256xf32> to vector<1x8x256xf32>
    tpu.vector_store %arg6[%swap3A_100, %swap3A_101, %swap3A_102], %swap3A_105 {strides = array<i32>} : memref<1x8x256xf32, #tpu.memory_space<vmem>>, vector<1x8x256xf32>,
    return
  }
  func.func @transform_0(%arg0: i32) -> (i32, i32, i32) {
    %c0_i32 = arith.constant 0 : i32
    %c0_i32_0 = arith.constant 0 : i32
    %c0_i32_1 = arith.constant 0 : i32
    return %arg0, %c0_i32, %c0_i32_0 : i32, i32, i32
  }
  func.func @transform_1(%arg0: i32) -> (i32, i32, i32) {
    %c0_i32 = arith.constant 0 : i32
    %c0_i32_0 = arith.constant 0 : i32
    %c0_i32_1 = arith.constant 0 : i32
    return %arg0, %c0_i32, %c0_i32_0 : i32, i32, i32
  }
  func.func @transform_2(%arg0: i32) -> (i32, i32) {
    %c0_i32 = arith.constant 0 : i32
    %c0_i32_0 = arith.constant 0 : i32
    %c0_i32_1 = arith.constant 0 : i32
    return %c0_i32, %c0_i32_0 : i32, i32
  }
  func.func @transform_3(%arg0: i32) -> (i32, i32) {
    %c0_i32 = arith.constant 0 : i32
    %c0_i32_0 = arith.constant 0 : i32
    %c0_i32_1 = arith.constant 0 : i32
    return %c0_i32, %c0_i32_0 : i32, i32
  }
  func.func @transform_4(%arg0: i32) -> (i32, i32, i32) {
    %c0_i32 = arith.constant 0 : i32
    %c0_i32_0 = arith.constant 0 : i32
    %c0_i32_1 = arith.constant 0 : i32
    return %arg0, %c0_i32, %c0_i32_0 : i32, i32, i32
  }
  func.func @transform_5(%arg0: i32) -> (i32, i32, i32) {
    %c0_i32 = arith.constant 0 : i32
    %c0_i32_0 = arith.constant 0 : i32
    %c0_i32_1 = arith.constant 0 : i32
    return %arg0, %c0_i32, %c0_i32_0 : i32, i32, i32
  }
}

module attributes {stable_mosaic.version = 14 : i64} {
  func.func @body(%arg0: i32, %arg1: memref<1x2048x128xf32, #tpu.memory_space<vmem>>, %arg2: memref<16x8x256xf32, #tpu.memory_space<vmem>>, %arg3: memref<128x128xf32, #tpu.memory_space<vmem>>, %arg4: memref<1x128xf32, #tpu.memory_space<vmem>>, %arg5: memref<1x2048x128xf32, #tpu.memory_space<vmem>>, %arg6: memref<1x8x256xf32, #tpu.memory_space<vmem>>) attributes {dimension_semantics = [#tpu.dimension_semantics<parallel>], iteration_bounds = array<i64: 16>, scalar_prefetch = 0 : i64, scratch_operands = 0 : i64, tpu.core_type = #tpu.core_type<tc>, window_params = [{transform_indices = @transform_0, window_bounds = array<i64: 1, 2048, 128>}, {pipeline_mode = #tpu.pipeline_mode<synchronous>, transform_indices = @transform_1, window_bounds = array<i64: 16, 8, 256>}, {pipeline_mode = #tpu.pipeline_mode<synchronous>, transform_indices = @transform_2, window_bounds = array<i64: 128, 128>}, {pipeline_mode = #tpu.pipeline_mode<synchronous>, transform_indices = @transform_3, window_bounds = array<i64: 1, 128>}, {transform_indices = @transform_4, window_bounds = array<i64: 1, 2048, 128>}, {transform_indices = @transform_5, window_bounds = array<i64: 1, 8, 256>}]} {
    %get3A = arith.constant 0 : index
    %get3A_0 = arith.constant 0 : index
    %get3A_1 = arith.constant 0 : index
    %get3A_2 = vector.load %arg1[%get3A, %get3A_0, %get3A_1] : memref<1x2048x128xf32, #tpu.memory_space<vmem>>, vector<1x2048x128xf32>
    %get3A_3 = vector.shape_cast %get3A_2 : vector<1x2048x128xf32> to vector<2048x128xf32>
    %get3A_4 = arith.constant 0 : index
    %get3A_5 = arith.constant 0 : index
    %get3A_6 = arith.constant 0 : index
    %get3A_7 = vector.load %arg2[%get3A_4, %get3A_5, %get3A_6] : memref<16x8x256xf32, #tpu.memory_space<vmem>>, vector<16x8x256xf32>
    %slice3A = vector.extract_strided_slice %get3A_7 {offsets = [0, 0, 0], sizes = [16, 1, 256], strides = [1, 1, 1]} : vector<16x8x256xf32> to vector<16x1x256xf32>
    %squeeze3A = vector.shape_cast %slice3A : vector<16x1x256xf32> to vector<16x256xf32>
    %reduce_sum3A = arith.constant dense<0.000000e+00> : vector<256xf32>
    %reduce_sum3A_8 = vector.multi_reduction <add>, %squeeze3A, %reduce_sum3A [0] : vector<16x256xf32> to vector<256xf32>
    %slice3A_9 = vector.extract_strided_slice %reduce_sum3A_8 {offsets = [0], sizes = [128], strides = [1]} : vector<256xf32> to vector<128xf32>
    %slice3A_10 = vector.extract_strided_slice %get3A_7 {offsets = [0, 1, 0], sizes = [16, 1, 256], strides = [1, 1, 1]} : vector<16x8x256xf32> to vector<16x1x256xf32>
    %squeeze3A_11 = vector.shape_cast %slice3A_10 : vector<16x1x256xf32> to vector<16x256xf32>
    %reduce_sum3A_12 = arith.constant dense<0.000000e+00> : vector<256xf32>
    %reduce_sum3A_13 = vector.multi_reduction <add>, %squeeze3A_11, %reduce_sum3A_12 [0] : vector<16x256xf32> to vector<256xf32>
    %slice3A_14 = vector.extract_strided_slice %reduce_sum3A_13 {offsets = [0], sizes = [128], strides = [1]} : vector<256xf32> to vector<128xf32>
    %div3A = arith.constant 3.276800e+04 : f32
    %div3A_15 = vector.broadcast %div3A : f32 to vector<128xf32>
    %div3A_16 = arith.divf %slice3A_9, %div3A_15 : vector<128xf32>
    %div3A_17 = arith.constant 3.276800e+04 : f32
    %div3A_18 = vector.broadcast %div3A_17 : f32 to vector<128xf32>
    %div3A_19 = arith.divf %slice3A_14, %div3A_18 : vector<128xf32>
    %mul3A = arith.mulf %div3A_16, %div3A_16 : vector<128xf32>
    %sub3A = arith.subf %div3A_19, %mul3A : vector<128xf32>
    %add3A = arith.constant 9.99999974E-6 : f32
    %add3A_20 = vector.broadcast %add3A : f32 to vector<128xf32>
    %add3A_21 = arith.addf %sub3A, %add3A_20 : vector<128xf32>
    %rsqrt3A = math.rsqrt %add3A_21 : vector<128xf32>
    %broadcast_in_dim3A = vector.shape_cast %div3A_16 : vector<128xf32> to vector<1x128xf32>
    %sub3A_22 = vector.broadcast %broadcast_in_dim3A : vector<1x128xf32> to vector<2048x128xf32>
    %sub3A_23 = arith.subf %get3A_3, %sub3A_22 : vector<2048x128xf32>
    %broadcast_in_dim3A_24 = vector.shape_cast %rsqrt3A : vector<128xf32> to vector<1x128xf32>
    %mul3A_25 = vector.broadcast %broadcast_in_dim3A_24 : vector<1x128xf32> to vector<2048x128xf32>
    %mul3A_26 = arith.mulf %sub3A_23, %mul3A_25 : vector<2048x128xf32>
    %max3A = arith.constant 0.000000e+00 : f32
    %max3A_27 = vector.broadcast %max3A : f32 to vector<2048x128xf32>
    %max3A_28 = arith.maximumf %mul3A_26, %max3A_27 : vector<2048x128xf32>
    %get3A_29 = arith.constant 0 : index
    %get3A_30 = arith.constant 0 : index
    %get3A_31 = vector.load %arg3[%get3A_29, %get3A_30] : memref<128x128xf32, #tpu.memory_space<vmem>>, vector<128x128xf32>
    %dot_general3A = arith.constant dense<0.000000e+00> : vector<2048x128xf32>
    %dot_general3A_32 = tpu.matmul %max3A_28, %get3A_31, %dot_general3A {dimension_numbers = #tpu.dot_dimension_numbers<[1], [1], [0], [0], [0, 0, 1, 0], [], []>, transpose_lhs_hint = false} : vector<2048x128xf32>, vector<128x128xf32>, vector<2048x128xf32> -> vector<2048x128xf32>
    %get3A_33 = arith.constant 0 : index
    %get3A_34 = arith.constant 0 : index
    %get3A_35 = vector.load %arg4[%get3A_33, %get3A_34] : memref<1x128xf32, #tpu.memory_space<vmem>>, vector<1x128xf32>
    %get3A_36 = vector.shape_cast %get3A_35 : vector<1x128xf32> to vector<128xf32>
    %broadcast_in_dim3A_37 = vector.shape_cast %get3A_36 : vector<128xf32> to vector<1x128xf32>
    %add3A_38 = vector.broadcast %broadcast_in_dim3A_37 : vector<1x128xf32> to vector<2048x128xf32>
    %add3A_39 = arith.addf %dot_general3A_32, %add3A_38 : vector<2048x128xf32>
    %swap3A = arith.constant 0 : index
    %swap3A_40 = arith.constant 0 : index
    %swap3A_41 = arith.constant 0 : index
    %swap3A_42 = vector.load %arg5[%swap3A, %swap3A_40, %swap3A_41] : memref<1x2048x128xf32, #tpu.memory_space<vmem>>, vector<1x2048x128xf32>
    %swap3A_43 = vector.shape_cast %swap3A_42 : vector<1x2048x128xf32> to vector<2048x128xf32>
    %swap3A_44 = vector.shape_cast %add3A_39 : vector<2048x128xf32> to vector<1x2048x128xf32>
    tpu.vector_store %arg5[%swap3A, %swap3A_40, %swap3A_41], %swap3A_44 {strides = array<i32>} : memref<1x2048x128xf32, #tpu.memory_space<vmem>>, vector<1x2048x128xf32>,
    %reduce_sum3A_45 = arith.constant dense<0.000000e+00> : vector<128xf32>
    %reduce_sum3A_46 = vector.multi_reduction <add>, %add3A_39, %reduce_sum3A_45 [0] : vector<2048x128xf32> to vector<128xf32>
    %mul3A_47 = arith.mulf %add3A_39, %add3A_39 : vector<2048x128xf32>
    %reduce_sum3A_48 = arith.constant dense<0.000000e+00> : vector<128xf32>
    %reduce_sum3A_49 = vector.multi_reduction <add>, %mul3A_47, %reduce_sum3A_48 [0] : vector<2048x128xf32> to vector<128xf32>
    %broadcast_in_dim3A_50 = arith.constant 0.000000e+00 : f32
    %broadcast_in_dim3A_51 = vector.broadcast %broadcast_in_dim3A_50 : f32 to vector<128xf32>
    %concatenate3A = tpu.concatenate %reduce_sum3A_46, %broadcast_in_dim3A_51 in 0 : vector<128xf32>, vector<128xf32> -> vector<256xf32>
    %concatenate3A_52 = tpu.concatenate %reduce_sum3A_49, %broadcast_in_dim3A_51 in 0 : vector<128xf32>, vector<128xf32> -> vector<256xf32>
    %broadcast_in_dim3A_53 = vector.shape_cast %concatenate3A : vector<256xf32> to vector<1x256xf32>
    %broadcast_in_dim3A_54 = vector.shape_cast %concatenate3A_52 : vector<256xf32> to vector<1x256xf32>
    %broadcast_in_dim3A_55 = arith.constant 0.000000e+00 : f32
    %broadcast_in_dim3A_56 = vector.broadcast %broadcast_in_dim3A_55 : f32 to vector<6x256xf32>
    %concatenate3A_57 = tpu.concatenate %broadcast_in_dim3A_53, %broadcast_in_dim3A_54, %broadcast_in_dim3A_56 in 0 : vector<1x256xf32>, vector<1x256xf32>, vector<6x256xf32> -> vector<8x256xf32>
    %swap3A_58 = arith.constant 0 : index
    %swap3A_59 = arith.constant 0 : index
    %swap3A_60 = arith.constant 0 : index
    %swap3A_61 = vector.load %arg6[%swap3A_58, %swap3A_59, %swap3A_60] : memref<1x8x256xf32, #tpu.memory_space<vmem>>, vector<1x8x256xf32>
    %swap3A_62 = vector.shape_cast %swap3A_61 : vector<1x8x256xf32> to vector<8x256xf32>
    %swap3A_63 = vector.shape_cast %concatenate3A_57 : vector<8x256xf32> to vector<1x8x256xf32>
    tpu.vector_store %arg6[%swap3A_58, %swap3A_59, %swap3A_60], %swap3A_63 {strides = array<i32>} : memref<1x8x256xf32, #tpu.memory_space<vmem>>, vector<1x8x256xf32>,
    return
  }
  func.func @transform_0(%arg0: i32) -> (i32, i32, i32) {
    %c0_i32 = arith.constant 0 : i32
    %c0_i32_0 = arith.constant 0 : i32
    %c0_i32_1 = arith.constant 0 : i32
    return %arg0, %c0_i32, %c0_i32_0 : i32, i32, i32
  }
  func.func @transform_1(%arg0: i32) -> (i32, i32, i32) {
    %c0_i32 = arith.constant 0 : i32
    %c0_i32_0 = arith.constant 0 : i32
    %c0_i32_1 = arith.constant 0 : i32
    %c0_i32_2 = arith.constant 0 : i32
    return %c0_i32, %c0_i32_0, %c0_i32_1 : i32, i32, i32
  }
  func.func @transform_2(%arg0: i32) -> (i32, i32) {
    %c0_i32 = arith.constant 0 : i32
    %c0_i32_0 = arith.constant 0 : i32
    %c0_i32_1 = arith.constant 0 : i32
    return %c0_i32, %c0_i32_0 : i32, i32
  }
  func.func @transform_3(%arg0: i32) -> (i32, i32) {
    %c0_i32 = arith.constant 0 : i32
    %c0_i32_0 = arith.constant 0 : i32
    %c0_i32_1 = arith.constant 0 : i32
    return %c0_i32, %c0_i32_0 : i32, i32
  }
  func.func @transform_4(%arg0: i32) -> (i32, i32, i32) {
    %c0_i32 = arith.constant 0 : i32
    %c0_i32_0 = arith.constant 0 : i32
    %c0_i32_1 = arith.constant 0 : i32
    return %arg0, %c0_i32, %c0_i32_0 : i32, i32, i32
  }
  func.func @transform_5(%arg0: i32) -> (i32, i32, i32) {
    %c0_i32 = arith.constant 0 : i32
    %c0_i32_0 = arith.constant 0 : i32
    %c0_i32_1 = arith.constant 0 : i32
    return %arg0, %c0_i32, %c0_i32_0 : i32, i32, i32
  }
}

module attributes {stable_mosaic.version = 14 : i64} {
  func.func @body(%arg0: i32, %arg1: memref<1x2048x128xf32, #tpu.memory_space<vmem>>, %arg2: memref<16x8x256xf32, #tpu.memory_space<vmem>>, %arg3: memref<256x128xf32, #tpu.memory_space<vmem>>, %arg4: memref<1x256xf32, #tpu.memory_space<vmem>>, %arg5: memref<1x2048x256xf32, #tpu.memory_space<vmem>>, %arg6: memref<1x8x256xf32, #tpu.memory_space<vmem>>) attributes {dimension_semantics = [#tpu.dimension_semantics<parallel>], iteration_bounds = array<i64: 16>, scalar_prefetch = 0 : i64, scratch_operands = 0 : i64, tpu.core_type = #tpu.core_type<tc>, window_params = [{transform_indices = @transform_0, window_bounds = array<i64: 1, 2048, 128>}, {pipeline_mode = #tpu.pipeline_mode<synchronous>, transform_indices = @transform_1, window_bounds = array<i64: 16, 8, 256>}, {pipeline_mode = #tpu.pipeline_mode<synchronous>, transform_indices = @transform_2, window_bounds = array<i64: 256, 128>}, {pipeline_mode = #tpu.pipeline_mode<synchronous>, transform_indices = @transform_3, window_bounds = array<i64: 1, 256>}, {transform_indices = @transform_4, window_bounds = array<i64: 1, 2048, 256>}, {transform_indices = @transform_5, window_bounds = array<i64: 1, 8, 256>}]} {
    %get3A = arith.constant 0 : index
    %get3A_0 = arith.constant 0 : index
    %get3A_1 = arith.constant 0 : index
    %get3A_2 = vector.load %arg1[%get3A, %get3A_0, %get3A_1] : memref<1x2048x128xf32, #tpu.memory_space<vmem>>, vector<1x2048x128xf32>
    %get3A_3 = vector.shape_cast %get3A_2 : vector<1x2048x128xf32> to vector<2048x128xf32>
    %get3A_4 = arith.constant 0 : index
    %get3A_5 = arith.constant 0 : index
    %get3A_6 = arith.constant 0 : index
    %get3A_7 = vector.load %arg2[%get3A_4, %get3A_5, %get3A_6] : memref<16x8x256xf32, #tpu.memory_space<vmem>>, vector<16x8x256xf32>
    %slice3A = vector.extract_strided_slice %get3A_7 {offsets = [0, 0, 0], sizes = [16, 1, 256], strides = [1, 1, 1]} : vector<16x8x256xf32> to vector<16x1x256xf32>
    %squeeze3A = vector.shape_cast %slice3A : vector<16x1x256xf32> to vector<16x256xf32>
    %reduce_sum3A = arith.constant dense<0.000000e+00> : vector<256xf32>
    %reduce_sum3A_8 = vector.multi_reduction <add>, %squeeze3A, %reduce_sum3A [0] : vector<16x256xf32> to vector<256xf32>
    %slice3A_9 = vector.extract_strided_slice %reduce_sum3A_8 {offsets = [0], sizes = [128], strides = [1]} : vector<256xf32> to vector<128xf32>
    %slice3A_10 = vector.extract_strided_slice %get3A_7 {offsets = [0, 1, 0], sizes = [16, 1, 256], strides = [1, 1, 1]} : vector<16x8x256xf32> to vector<16x1x256xf32>
    %squeeze3A_11 = vector.shape_cast %slice3A_10 : vector<16x1x256xf32> to vector<16x256xf32>
    %reduce_sum3A_12 = arith.constant dense<0.000000e+00> : vector<256xf32>
    %reduce_sum3A_13 = vector.multi_reduction <add>, %squeeze3A_11, %reduce_sum3A_12 [0] : vector<16x256xf32> to vector<256xf32>
    %slice3A_14 = vector.extract_strided_slice %reduce_sum3A_13 {offsets = [0], sizes = [128], strides = [1]} : vector<256xf32> to vector<128xf32>
    %div3A = arith.constant 3.276800e+04 : f32
    %div3A_15 = vector.broadcast %div3A : f32 to vector<128xf32>
    %div3A_16 = arith.divf %slice3A_9, %div3A_15 : vector<128xf32>
    %div3A_17 = arith.constant 3.276800e+04 : f32
    %div3A_18 = vector.broadcast %div3A_17 : f32 to vector<128xf32>
    %div3A_19 = arith.divf %slice3A_14, %div3A_18 : vector<128xf32>
    %mul3A = arith.mulf %div3A_16, %div3A_16 : vector<128xf32>
    %sub3A = arith.subf %div3A_19, %mul3A : vector<128xf32>
    %add3A = arith.constant 9.99999974E-6 : f32
    %add3A_20 = vector.broadcast %add3A : f32 to vector<128xf32>
    %add3A_21 = arith.addf %sub3A, %add3A_20 : vector<128xf32>
    %rsqrt3A = math.rsqrt %add3A_21 : vector<128xf32>
    %broadcast_in_dim3A = vector.shape_cast %div3A_16 : vector<128xf32> to vector<1x128xf32>
    %sub3A_22 = vector.broadcast %broadcast_in_dim3A : vector<1x128xf32> to vector<2048x128xf32>
    %sub3A_23 = arith.subf %get3A_3, %sub3A_22 : vector<2048x128xf32>
    %broadcast_in_dim3A_24 = vector.shape_cast %rsqrt3A : vector<128xf32> to vector<1x128xf32>
    %mul3A_25 = vector.broadcast %broadcast_in_dim3A_24 : vector<1x128xf32> to vector<2048x128xf32>
    %mul3A_26 = arith.mulf %sub3A_23, %mul3A_25 : vector<2048x128xf32>
    %max3A = arith.constant 0.000000e+00 : f32
    %max3A_27 = vector.broadcast %max3A : f32 to vector<2048x128xf32>
    %max3A_28 = arith.maximumf %mul3A_26, %max3A_27 : vector<2048x128xf32>
    %get3A_29 = arith.constant 0 : index
    %get3A_30 = arith.constant 0 : index
    %get3A_31 = vector.load %arg3[%get3A_29, %get3A_30] : memref<256x128xf32, #tpu.memory_space<vmem>>, vector<256x128xf32>
    %dot_general3A = arith.constant dense<0.000000e+00> : vector<2048x256xf32>
    %dot_general3A_32 = tpu.matmul %max3A_28, %get3A_31, %dot_general3A {dimension_numbers = #tpu.dot_dimension_numbers<[1], [1], [0], [0], [0, 0, 1, 0], [], []>, transpose_lhs_hint = false} : vector<2048x128xf32>, vector<256x128xf32>, vector<2048x256xf32> -> vector<2048x256xf32>
    %get3A_33 = arith.constant 0 : index
    %get3A_34 = arith.constant 0 : index
    %get3A_35 = vector.load %arg4[%get3A_33, %get3A_34] : memref<1x256xf32, #tpu.memory_space<vmem>>, vector<1x256xf32>
    %get3A_36 = vector.shape_cast %get3A_35 : vector<1x256xf32> to vector<256xf32>
    %broadcast_in_dim3A_37 = vector.shape_cast %get3A_36 : vector<256xf32> to vector<1x256xf32>
    %add3A_38 = vector.broadcast %broadcast_in_dim3A_37 : vector<1x256xf32> to vector<2048x256xf32>
    %add3A_39 = arith.addf %dot_general3A_32, %add3A_38 : vector<2048x256xf32>
    %swap3A = arith.constant 0 : index
    %swap3A_40 = arith.constant 0 : index
    %swap3A_41 = arith.constant 0 : index
    %swap3A_42 = vector.load %arg5[%swap3A, %swap3A_40, %swap3A_41] : memref<1x2048x256xf32, #tpu.memory_space<vmem>>, vector<1x2048x256xf32>
    %swap3A_43 = vector.shape_cast %swap3A_42 : vector<1x2048x256xf32> to vector<2048x256xf32>
    %swap3A_44 = vector.shape_cast %add3A_39 : vector<2048x256xf32> to vector<1x2048x256xf32>
    tpu.vector_store %arg5[%swap3A, %swap3A_40, %swap3A_41], %swap3A_44 {strides = array<i32>} : memref<1x2048x256xf32, #tpu.memory_space<vmem>>, vector<1x2048x256xf32>,
    %reduce_sum3A_45 = arith.constant dense<0.000000e+00> : vector<256xf32>
    %reduce_sum3A_46 = vector.multi_reduction <add>, %add3A_39, %reduce_sum3A_45 [0] : vector<2048x256xf32> to vector<256xf32>
    %mul3A_47 = arith.mulf %add3A_39, %add3A_39 : vector<2048x256xf32>
    %reduce_sum3A_48 = arith.constant dense<0.000000e+00> : vector<256xf32>
    %reduce_sum3A_49 = vector.multi_reduction <add>, %mul3A_47, %reduce_sum3A_48 [0] : vector<2048x256xf32> to vector<256xf32>
    %broadcast_in_dim3A_50 = vector.shape_cast %reduce_sum3A_46 : vector<256xf32> to vector<1x256xf32>
    %broadcast_in_dim3A_51 = vector.shape_cast %reduce_sum3A_49 : vector<256xf32> to vector<1x256xf32>
    %broadcast_in_dim3A_52 = arith.constant 0.000000e+00 : f32
    %broadcast_in_dim3A_53 = vector.broadcast %broadcast_in_dim3A_52 : f32 to vector<6x256xf32>
    %concatenate3A = tpu.concatenate %broadcast_in_dim3A_50, %broadcast_in_dim3A_51, %broadcast_in_dim3A_53 in 0 : vector<1x256xf32>, vector<1x256xf32>, vector<6x256xf32> -> vector<8x256xf32>
    %swap3A_54 = arith.constant 0 : index
    %swap3A_55 = arith.constant 0 : index
    %swap3A_56 = arith.constant 0 : index
    %swap3A_57 = vector.load %arg6[%swap3A_54, %swap3A_55, %swap3A_56] : memref<1x8x256xf32, #tpu.memory_space<vmem>>, vector<1x8x256xf32>
    %swap3A_58 = vector.shape_cast %swap3A_57 : vector<1x8x256xf32> to vector<8x256xf32>
    %swap3A_59 = vector.shape_cast %concatenate3A : vector<8x256xf32> to vector<1x8x256xf32>
    tpu.vector_store %arg6[%swap3A_54, %swap3A_55, %swap3A_56], %swap3A_59 {strides = array<i32>} : memref<1x8x256xf32, #tpu.memory_space<vmem>>, vector<1x8x256xf32>,
    return
  }
  func.func @transform_0(%arg0: i32) -> (i32, i32, i32) {
    %c0_i32 = arith.constant 0 : i32
    %c0_i32_0 = arith.constant 0 : i32
    %c0_i32_1 = arith.constant 0 : i32
    return %arg0, %c0_i32, %c0_i32_0 : i32, i32, i32
  }
  func.func @transform_1(%arg0: i32) -> (i32, i32, i32) {
    %c0_i32 = arith.constant 0 : i32
    %c0_i32_0 = arith.constant 0 : i32
    %c0_i32_1 = arith.constant 0 : i32
    %c0_i32_2 = arith.constant 0 : i32
    return %c0_i32, %c0_i32_0, %c0_i32_1 : i32, i32, i32
  }
  func.func @transform_2(%arg0: i32) -> (i32, i32) {
    %c0_i32 = arith.constant 0 : i32
    %c0_i32_0 = arith.constant 0 : i32
    %c0_i32_1 = arith.constant 0 : i32
    return %c0_i32, %c0_i32_0 : i32, i32
  }
  func.func @transform_3(%arg0: i32) -> (i32, i32) {
    %c0_i32 = arith.constant 0 : i32
    %c0_i32_0 = arith.constant 0 : i32
    %c0_i32_1 = arith.constant 0 : i32
    return %c0_i32, %c0_i32_0 : i32, i32
  }
  func.func @transform_4(%arg0: i32) -> (i32, i32, i32) {
    %c0_i32 = arith.constant 0 : i32
    %c0_i32_0 = arith.constant 0 : i32
    %c0_i32_1 = arith.constant 0 : i32
    return %arg0, %c0_i32, %c0_i32_0 : i32, i32, i32
  }
  func.func @transform_5(%arg0: i32) -> (i32, i32, i32) {
    %c0_i32 = arith.constant 0 : i32
    %c0_i32_0 = arith.constant 0 : i32
    %c0_i32_1 = arith.constant 0 : i32
    return %arg0, %c0_i32, %c0_i32_0 : i32, i32, i32
  }
}

module attributes {stable_mosaic.version = 14 : i64} {
  func.func @_fin_body(%arg0: i32, %arg1: memref<1x2048x256xf32, #tpu.memory_space<vmem>>, %arg2: memref<16x8x256xf32, #tpu.memory_space<vmem>>, %arg3: memref<1x1x32xf32, #tpu.memory_space<vmem>>) attributes {dimension_semantics = [#tpu.dimension_semantics<parallel>], iteration_bounds = array<i64: 16>, scalar_prefetch = 0 : i64, scratch_operands = 0 : i64, tpu.core_type = #tpu.core_type<tc>, window_params = [{transform_indices = @transform_0, window_bounds = array<i64: 1, 2048, 256>}, {pipeline_mode = #tpu.pipeline_mode<synchronous>, transform_indices = @transform_1, window_bounds = array<i64: 16, 8, 256>}, {transform_indices = @transform_2, window_bounds = array<i64: 1, 1, 32>}]} {
    %get3A = arith.constant 0 : index
    %get3A_0 = arith.constant 0 : index
    %get3A_1 = arith.constant 0 : index
    %get3A_2 = vector.load %arg1[%get3A, %get3A_0, %get3A_1] : memref<1x2048x256xf32, #tpu.memory_space<vmem>>, vector<1x2048x256xf32>
    %get3A_3 = vector.shape_cast %get3A_2 : vector<1x2048x256xf32> to vector<2048x256xf32>
    %get3A_4 = arith.constant 0 : index
    %get3A_5 = arith.constant 0 : index
    %get3A_6 = arith.constant 0 : index
    %get3A_7 = vector.load %arg2[%get3A_4, %get3A_5, %get3A_6] : memref<16x8x256xf32, #tpu.memory_space<vmem>>, vector<16x8x256xf32>
    %slice3A = vector.extract_strided_slice %get3A_7 {offsets = [0, 0, 0], sizes = [16, 1, 256], strides = [1, 1, 1]} : vector<16x8x256xf32> to vector<16x1x256xf32>
    %squeeze3A = vector.shape_cast %slice3A : vector<16x1x256xf32> to vector<16x256xf32>
    %reduce_sum3A = arith.constant dense<0.000000e+00> : vector<256xf32>
    %reduce_sum3A_8 = vector.multi_reduction <add>, %squeeze3A, %reduce_sum3A [0] : vector<16x256xf32> to vector<256xf32>
    %slice3A_9 = vector.extract_strided_slice %get3A_7 {offsets = [0, 1, 0], sizes = [16, 1, 256], strides = [1, 1, 1]} : vector<16x8x256xf32> to vector<16x1x256xf32>
    %squeeze3A_10 = vector.shape_cast %slice3A_9 : vector<16x1x256xf32> to vector<16x256xf32>
    %reduce_sum3A_11 = arith.constant dense<0.000000e+00> : vector<256xf32>
    %reduce_sum3A_12 = vector.multi_reduction <add>, %squeeze3A_10, %reduce_sum3A_11 [0] : vector<16x256xf32> to vector<256xf32>
    %div3A = arith.constant 3.276800e+04 : f32
    %div3A_13 = vector.broadcast %div3A : f32 to vector<256xf32>
    %div3A_14 = arith.divf %reduce_sum3A_8, %div3A_13 : vector<256xf32>
    %div3A_15 = arith.constant 3.276800e+04 : f32
    %div3A_16 = vector.broadcast %div3A_15 : f32 to vector<256xf32>
    %div3A_17 = arith.divf %reduce_sum3A_12, %div3A_16 : vector<256xf32>
    %mul3A = arith.mulf %div3A_14, %div3A_14 : vector<256xf32>
    %sub3A = arith.subf %div3A_17, %mul3A : vector<256xf32>
    %add3A = arith.constant 9.99999974E-6 : f32
    %add3A_18 = vector.broadcast %add3A : f32 to vector<256xf32>
    %add3A_19 = arith.addf %sub3A, %add3A_18 : vector<256xf32>
    %rsqrt3A = math.rsqrt %add3A_19 : vector<256xf32>
    %broadcast_in_dim3A = vector.shape_cast %div3A_14 : vector<256xf32> to vector<1x256xf32>
    %sub3A_20 = vector.broadcast %broadcast_in_dim3A : vector<1x256xf32> to vector<2048x256xf32>
    %sub3A_21 = arith.subf %get3A_3, %sub3A_20 : vector<2048x256xf32>
    %broadcast_in_dim3A_22 = vector.shape_cast %rsqrt3A : vector<256xf32> to vector<1x256xf32>
    %mul3A_23 = vector.broadcast %broadcast_in_dim3A_22 : vector<1x256xf32> to vector<2048x256xf32>
    %mul3A_24 = arith.mulf %sub3A_21, %mul3A_23 : vector<2048x256xf32>
    %max3A = arith.constant 0.000000e+00 : f32
    %max3A_25 = vector.broadcast %max3A : f32 to vector<2048x256xf32>
    %max3A_26 = arith.maximumf %mul3A_24, %max3A_25 : vector<2048x256xf32>
    %reshape3A = vector.shape_cast %max3A_26 : vector<2048x256xf32> to vector<32x64x256xf32>
    %reduce_max3A = arith.constant dense<0xFF800000> : vector<32xf32>
    %reduce_max3A_27 = vector.multi_reduction <maximumf>, %reshape3A, %reduce_max3A [1, 2] : vector<32x64x256xf32> to vector<32xf32>
    %reshape3A_28 = vector.shape_cast %reduce_max3A_27 : vector<32xf32> to vector<1x32xf32>
    %swap3A = arith.constant 0 : index
    %swap3A_29 = arith.constant 0 : index
    %swap3A_30 = arith.constant 0 : index
    %swap3A_31 = vector.load %arg3[%swap3A, %swap3A_29, %swap3A_30] : memref<1x1x32xf32, #tpu.memory_space<vmem>>, vector<1x1x32xf32>
    %swap3A_32 = vector.shape_cast %swap3A_31 : vector<1x1x32xf32> to vector<1x32xf32>
    %swap3A_33 = vector.shape_cast %reshape3A_28 : vector<1x32xf32> to vector<1x1x32xf32>
    tpu.vector_store %arg3[%swap3A, %swap3A_29, %swap3A_30], %swap3A_33 {strides = array<i32>} : memref<1x1x32xf32, #tpu.memory_space<vmem>>, vector<1x1x32xf32>,
    return
  }
  func.func @transform_0(%arg0: i32) -> (i32, i32, i32) {
    %c0_i32 = arith.constant 0 : i32
    %c0_i32_0 = arith.constant 0 : i32
    %c0_i32_1 = arith.constant 0 : i32
    return %arg0, %c0_i32, %c0_i32_0 : i32, i32, i32
  }
  func.func @transform_1(%arg0: i32) -> (i32, i32, i32) {
    %c0_i32 = arith.constant 0 : i32
    %c0_i32_0 = arith.constant 0 : i32
    %c0_i32_1 = arith.constant 0 : i32
    %c0_i32_2 = arith.constant 0 : i32
    return %c0_i32, %c0_i32_0, %c0_i32_1 : i32, i32, i32
  }
  func.func @transform_2(%arg0: i32) -> (i32, i32, i32) {
    %c0_i32 = arith.constant 0 : i32
    %c0_i32_0 = arith.constant 0 : i32
    %c0_i32_1 = arith.constant 0 : i32
    return %arg0, %c0_i32, %c0_i32_0 : i32, i32, i32
  }
}

</mosaic_0001>

<sc_bundles>
// kernel: kernel.13.cloned.1.call-start
scs
__scs_entry_jumppad:
0x0: {  	(pc) =	sbr.rel $0x88, $3  }
0x1: {  	(tag) =	ssettag $0x0;
	lr =	simm.s32 $0x1  }
0x2: {  	[smem:$0x3F94] =	sst lr;
	_ =	strace $0xD0000000  }
0x3: {  	_ = 	snop  }
0x4: {  	_ = 	snop  }
0x5: {  	_ = 	snop  }
0x6: {  	_ = 	snop  }
0x7: {  	_ = 	snop  }
__scs_overlays_trampoline_lowered:
0x8: {  	[smem:$0x3FA3] =	sst s0  }
0x9: {  	[smem:$0x3FA4] =	sst s1  }
0xa: {  	[smem:$0x3FA5] =	sst s2  }
0xb: {  	[smem:$0x3FA6] =	sst s3  }
0xc: {  	[smem:$0x3FA7] =	sst s4  }
0xd: {  	[smem:$0x3FA8] =	sst s5  }
0xe: {  	[smem:$0x3FA9] =	sst s6  }
0xf: {  	[smem:$0x3FAA] =	sst s7  }
0x10: {  	[smem:$0x3FAB] =	sst s8  }
0x11: {  	[smem:$0x3FAC] =	sst s9;
	s0 =	simm.s32 @!p0 $0x0  }
0x12: {  	s1 =	sld [smem:$0x3F92];
	s0 =	simm.s32 @p0 $0x1  }
0x13: {  	[smem:$0x3FAD] =	sst s0;
	s0 =	simm.s32 @!p1 $0x0  }
0x14: {  	s2 =	sld [smem:$0x3F91];
	s0 =	simm.s32 @p1 $0x1  }
0x15: {  	[smem:$0x3FAE] =	sst s0;
	s0 =	simm.s32 @!p2 $0x0  }
0x16: {  	s3 =	sld [smem:$0x3FDB];
	s0 =	simm.s32 @p2 $0x1  }
0x17: {  	s4 =	simm.s32 $0x1BF5;
	[smem:$0x3FB0] =	sst s0  }
0x18: {  	s0 =	sld [smem:$0x3F93];
	_ =	swait.ge [sflag:s4], $0x0  }
0x19: {  	s7 =	sld [smem:$0x3F94]  }
0x1a: {  	s8 =	sadd.s32 $0xFFFFE003, lr  }
0x1b: {  	s9 =	sadd.s32 $0xFFFFFEF7, lr;
	s5 =	simm.s32 $0xFFFFFFFF;
	p2 =	slt.u32 s8, $0xFFFFF086  }
0x1c: {  	p1 =	slt.u32 s9, $0xF7A;
	s5 =	simm.s32 @!p2 $0x0  }
0x1d: {  	s5 =	simm.s32 @p1 $0x1;
	p0 =	seq.s32 s7, s2  }
0x1e: {  	s7 =	smul.u32 @!p0 $0xF7A, s2;
	p2 =	seq.s32 @!p0 s5, $0x0  }
0x1f: {  	s9 =	smul.u32 $0xF7A, s1;
	s8 =	simm.s32 @!p0 $0x1BF5;
	p2 =	por !p2, p0  }
0x20: {  	[sflag:s8] =	ssyncset.s32 @!p0 $0xFFFFF086;
	s6 =	sadd.s32 @!p0 s3, s7;
	s7 =	simm.s32 @!p0 $0x108  }
0x21: {  	s3 =	sadd.s32 s3, s9;
	s6 =	sadd.s32 @!p0 $0x88, s6;
	s7 =	simm.s32 @p2 $0x1082  }
0x22: {  	[simem:s7], [sflag:s8] =	dma.local @!p0 [hbm:s6], $0xF7A  }
0x23: {  	s9 =	sor.u32 $0xD0000000, s2;
	s6 =	simm.s32 $0x108;
	_ =	swait.ge @!p0 [sflag:s8], $0x0  }
0x24: {  	s3 =	sadd.s32 $0x88, s3;
	s6 =	simm.s32 @!p1 $0x1082;
	[sflag:s4] =	ssyncset.s32 $0xFFFFF086  }
0x25: {  	[simem:s6], [sflag:s4] =	dma.local [hbm:s3], $0xF7A  }
0x26: {  	[smem:$0x3F94] =	sst s1;
	(tag) =	ssettag s2;
	_ =	strace s9  }
0x27: {  	s1 =	sld [smem:$0x3FA4]  }
0x28: {  	s2 =	sld [smem:$0x3FA5]  }
0x29: {  	s4 =	sld [smem:$0x3FA7]  }
0x2a: {  	p0 =	seq.s32 s5, $0x0;
	s5 =	sld [smem:$0x3FA8]  }
0x2b: {  	s6 =	sld [smem:$0x3FA9]  }
0x2c: {  	s7 =	sld [smem:$0x3FAA]  }
0x2d: {  	s3 =	simm.s32 $0x108;
	s8 =	sld [smem:$0x3FAB]  }
0x2e: {  	s3 =	simm.s32 @!p0 $0x1082;
	s9 =	sld [smem:$0x3FAC]  }
0x2f: {  	lr =	sadd.s32 s0, s3;
	s0 =	sld [smem:$0x3FA3]  }
0x30: {  	s3 =	sld [smem:$0x3FA6]  }
0x31: {  	[smem:$0x3FAF] =	sst s10  }
0x32: {  	s10 =	sld [smem:$0x3FAD];
	_ =	sdelay $0x3  }
0x33: {  	p0 =	seq.s32 s10, $0x1;
	s10 =	sld [smem:$0x3FAF];
	_ =	sdelay $0x3  }
0x34: {  	[smem:$0x3FAF] =	sst s10  }
0x35: {  	s10 =	sld [smem:$0x3FAE];
	_ =	sdelay $0x3  }
0x36: {  	p1 =	seq.s32 s10, $0x1;
	s10 =	sld [smem:$0x3FAF];
	_ =	sdelay $0x3  }
0x37: {  	[smem:$0x3FAF] =	sst s10  }
0x38: {  	s10 =	sld [smem:$0x3FB0]  }
0x39: {  	_ = 	snop;
	(pc) =	sbr.ind lr, $3  }
0x3a: {  	_ = 	snop  }
0x3b: {  	_ = 	snop  }
0x3c: {  	p2 =	seq.s32 s10, $0x1;
	s10 =	sld [smem:$0x3FAF]  }
0x3d: {  	_ =	shalt  }
0x3e: {  	_ =	shalt  }
0x3f: {  	_ =	shalt  }
0x40: {  	_ =	shalt  }
0x41: {  	_ =	shalt  }
0x42: {  	_ =	shalt  }
0x43: {  	_ =	shalt  }
0x44: {  	_ =	shalt  }
0x45: {  	_ =	shalt  }
0x46: {  	_ =	shalt  }
0x47: {  	_ =	shalt  }
0x48: {  	_ =	shalt  }
0x49: {  	_ =	shalt  }
0x4a: {  	_ =	shalt  }
0x4b: {  	_ =	shalt  }
0x4c: {  	_ =	shalt  }
0x4d: {  	_ =	shalt  }
0x4e: {  	_ =	shalt  }
0x4f: {  	_ =	shalt  }
0x50: {  	_ =	shalt  }
0x51: {  	_ =	shalt  }
0x52: {  	_ =	shalt  }
0x53: {  	_ =	shalt  }
0x54: {  	_ =	shalt  }
0x55: {  	_ =	shalt  }
0x56: {  	_ =	shalt  }
0x57: {  	_ =	shalt  }
0x58: {  	_ =	shalt  }
0x59: {  	_ =	shalt  }
0x5a: {  	_ =	shalt  }
0x5b: {  	_ =	shalt  }
0x5c: {  	_ =	shalt  }
0x5d: {  	_ =	shalt  }
0x5e: {  	_ =	shalt  }
0x5f: {  	_ =	shalt  }
0x60: {  	_ =	shalt  }
0x61: {  	_ =	shalt  }
0x62: {  	_ =	shalt  }
0x63: {  	_ =	shalt  }
0x64: {  	_ =	shalt  }
0x65: {  	_ =	shalt  }
0x66: {  	_ =	shalt  }
0x67: {  	_ =	shalt  }
0x68: {  	_ =	shalt  }
0x69: {  	_ =	shalt  }
0x6a: {  	_ =	shalt  }
0x6b: {  	_ =	shalt  }
0x6c: {  	_ =	shalt  }
0x6d: {  	_ =	shalt  }
0x6e: {  	_ =	shalt  }
0x6f: {  	_ =	shalt  }
0x70: {  	_ =	shalt  }
0x71: {  	_ =	shalt  }
0x72: {  	_ =	shalt  }
0x73: {  	_ =	shalt  }
0x74: {  	_ =	shalt  }
0x75: {  	_ =	shalt  }
0x76: {  	_ =	shalt  }
0x77: {  	_ =	shalt  }
0x78: {  	_ =	shalt  }
0x79: {  	_ =	shalt  }
0x7a: {  	_ =	shalt  }
0x7b: {  	_ =	shalt  }
0x7c: {  	_ =	shalt  }
0x7d: {  	_ =	shalt  }
0x7e: {  	_ =	shalt  }
0x7f: {  	_ =	shalt  }
0x80: {  	_ =	shalt  }
0x81: {  	_ =	shalt  }
0x82: {  	_ =	shalt  }
0x83: {  	_ =	shalt  }
0x84: {  	_ =	shalt  }
0x85: {  	_ =	shalt  }
0x86: {  	_ =	shalt  }
0x87: {  	_ =	shalt  }
.Lfunc_end0:
.L_simem_size_0:
called_computation_lowered:
.L_overlay_start_0:
0x88: {  	s2 =	sld [smem:$0x3FD9]  }
0x89: {  	s3 =	sld [smem:$0x3FFE];
	_ =	sdelay $0x1  }
0x8a: {  	s1 =	srdreg.scid  }
0x8b: {  	s0 =	sand.u32 $0x1, s1  }
0x8c: {  	s16 =	sshll.u32 s0, $0xA;
	s2 =	sadd.s32 s3, s2  }
0x8d: {  	s2 =	sadd.s32 s2, s16  }
0x8e: {  	[smem:$0x3FBB] =	sst s2  }
0x8f: {  	_ = 	snop  }
0x90: {  	(tm) =	ssettm $0x1  }
0x91: {  	s17 =	sld [smem:$0x3FFB];
	_ =	sdelay $0x3  }
0x92: {  	_ =	strace s17  }
0x93: {  	s2 =	sld [smem:$0x3FFC];
	_ =	sdelay $0x3  }
0x94: {  	_ =	strace s2  }
0x95: {  	s2 =	sld [smem:$0x3FFD];
	_ =	sdelay $0x3  }
0x96: {  	_ =	strace s2  }
0x97: {  	_ =	strace $0x8FFFFFFF  }
0x98: {  	s18 =	sld [smem:$0x3FDB];
	_ =	sdelay $0x1  }
0x99: {  	s19 =	simm.s32 $_scs_section_size  }
0x9a: {  	s4 =	simm.s32 $_size__tile_overlayer_lowered;
	s5 =	simm.s32 $_tile_overlayer_lowered  }
0x9b: {  	s22 =	simm.s32 $0x1BFF;
	s21 =	sshll.u32 s5, $0x1;
	s2 =	sadd.s32 s19, s18  }
0x9c: {  	s6 =	simm.s32 $0x0;
	s20 =	sshll.u32 s4, $0x1;
	s4 =	sadd.s32 s21, s2  }
0x9d: {  	[timem:s6], [sflag:s22] =	dma.local [hbm:s4], s20  }
0x9e: {  	_ =	swait.ge [sflag:s22], s20  }
0x9f: {  	s3 =	ssub.s32 $0x0, s20;
	[sflag:s22] =	ssyncset.done $0x0  }
0xa0: {  	[sflag:s22] =	ssyncadd.s32 s3;
	_ =	sdelay $0x1  }
0xa1: {  	s23 =	simm.s32 $0x1B8B  }
0xa2: {  	_ =	swait.ge [sflag:s23], $0x1  }
0xa3: {  	[sflag:s23] =	ssyncset.done $0x0  }
0xa4: {  	s25 =	simm.s32 $0x1B8E;
	s24 =	sld [smem:$0x3FFE];
	[sflag:s23] =	ssyncadd.s32 $0xFFFFFFFF  }
0xa5: {  	s26 =	simm.s32 $execute0_lowered;
	[smem:$0x3FD2] =	sst s25  }
0xa6: {  	s4 =	sshll.u32 s26, $0x1;
	_ =	strace $0x80000046;
	[dreg:$0x1] =	wrdreg $0xFFFFFFFF  }
0xa7: {  	s28 =	simm.s32 $_size_execute0_lowered;
	s2 =	sadd.s32 s2, s4;
	[dreg:$0x0] =	wrdreg $0x0  }
0xa8: {  	s4 =	sshll.u32 s28, $0x1;
	[dreg:$0x2] =	wrdreg s2  }
0xa9: {  	[dreg:$0x3] =	wrdreg s4  }
0xaa: {  	[dreg:$0x4] =	wrdreg $0xC0  }
0xab: {  	_ =	task [dreg:s6], $0x5FFFF  }
0xac: {  	[dreg:$0x1] =	wrdreg $0xFFFFFFFF  }
0xad: {  	[dreg:$0x0] =	wrdreg $0x60  }
0xae: {  	[dreg:$0x2] =	wrdreg s24  }
0xaf: {  	[dreg:$0x3] =	wrdreg $0x9  }
0xb0: {  	_ =	task.clear_ibuf [dreg:s6], $0x4FFFF;
	_ =	strace $0x90000046  }
0xb1: {  	s29 =	simm.s32 $0x9;
	_ =	strace $0x80000048  }
0xb2: {  	_ =	swait.ge [sflag:s29], $0x1  }
0xb3: {  	[sflag:s29] =	ssyncadd.s32 $0xFFFFFFFF  }
0xb4: {  	_ =	strace $0x90000048  }
0xb5: {  	_ =	sfence  }
0xb6: {  	s30 =	sld [smem:$0x0];
	_ =	sdelay $0x2  }
0xb7: {  	s31 =	sshll.u32 s1, $0xD;
	s1 =	sshrl.u32 s1, $0x2  }
0xb8: {  	s3 =	sand.u32 $0x4000, s31;
	s1 =	sadd.s32 s1, s30  }
0xb9: {  	s0 =	sor.u32 s3, s0;
	s1 =	sshll.u32 s1, $0x11  }
0xba: {  	s0 =	sor.u32 s1, s0  }
0xbb: {  	s0 =	sadd.s32 $0x8F2B, s0  }
0xbc: {  	[sflag:s0] =	ssyncadd.remote.s32 $0x1  }
0xbd: {  	_ =	sfence.sel $0xFFFF  }
0xbe: {  	[dreg:$0x0] =	wrdreg $0xFFFFFFFF;
	(pc) =	sbr.abs _section_cstart, $3  }
0xbf: {  	[dreg:$0x1] =	wrdreg $0xFFFFFFFF  }
0xc0: {  	_ =	task.clear_ibuf [dreg:s6], $0x2FFFF;
	_ =	strace $0x9FFFFFFF  }
0xc1: {  	(tm) =	ssettm $0x7FFFFFFF  }
tec
execute0_lowered:
.L_overlay_start_1:
0x0: {  	(tag) =	ssettag $0x1  }
0x1: {  	s1 =	srdreg.scid  }
0x2: {  	s0 =	stileid.u32;
	s14 =	sand.u32 $0x1, s1  }
0x3: {  	s8 =	rddreg [dreg:$0x0];
	s3 =	sshll.u32 s0, $0xC;
	s4 =	sshll.u32 s14, $0xB  }
0x4: {  	s2 =	simm.s32 $0x0;
	s1 =	rddreg [dreg:$0x1];
	s13 =	sor.u32 s4, s3  }
0x5: {  	[smem:$0x7FF] =	sst s2;
	s15 =	sadd.s32 $0x404200, s8;
	s3 =	sshrl.u32 s13, $0x3  }
0x6: {  	_ =	strace $0x80000047;
	s4 =	sadd.s32 s15, s3;
	s3 =	simm.s32 $0x2  }
0x7: {  	[tilespmem:s2], [sflag:$0x2] =	stream.linear.gather [hbm4b:s4+s2], $0x200, $0x38;
	[tilespmem:$0x10200] =	vst v63  }
0x8: {  	_ =	swait.ge [sflag:s3], $0x200  }
0x9: {  	s6 =	simm.s32 $0x200;
	[sflag:s3] =	ssyncset.done $0x0  }
0xa: {  	s7 =	simm.s32 $0x1;
	s5 =	sadd.s32 $0x406200, s8;
	[sflag:s3] =	ssyncadd.s32 $0xFFFFFE00  }
0xb: {  	[tilespmem:s6], [sflag:$0x1] =	stream.indirect.gather [hbm4b:s5+s6], $0x80, s2, s6, $0xb8;
	[tilespmem:$0x10200] =	vst v63  }
0xc: {  	_ =	swait.ge [sflag:s7], $0x10000  }
0xd: {  	s16 =	sadd.s32 $0x3A00, s8;
	s29 =	sshll.u32 s13, $0x4;
	[sflag:s7] =	ssyncset.done $0x0  }
0xe: {  	s8 =	sadd.s32 s16, s29;
	[sflag:s7] =	ssyncadd.s32 $0xFFFF0000  }
0xf: {  	[hbm4b:s8+s2] =	stream.linear.scatter [tilespmem:s6], [sflag:$0x2], $0x10000, $0x38;
	[tilespmem:$0x10200] =	vst v63  }
0x10: {  	s10 =	sor.u32 $0x200, s13;
	_ =	swait.ge [sflag:s3], $0x10000  }
0x11: {  	s9 =	sshrl.u32 s10, $0x3;
	[sflag:s3] =	ssyncset.done $0x0  }
0x12: {  	s9 =	sadd.s32 s15, s9;
	[sflag:s3] =	ssyncadd.s32 $0xFFFF0000  }
0x13: {  	[tilespmem:s2], [sflag:$0x2] =	stream.linear.gather [hbm4b:s9+s2], $0x200, $0x38;
	[tilespmem:$0x10200] =	vst v63  }
0x14: {  	_ =	swait.ge [sflag:s3], $0x200  }
0x15: {  	[sflag:s3] =	ssyncset.done $0x0  }
0x16: {  	[sflag:s3] =	ssyncadd.s32 $0xFFFFFE00  }
0x17: {  	[tilespmem:s6], [sflag:$0x1] =	stream.indirect.gather [hbm4b:s5+s6], $0x80, s2, s6, $0xb8;
	[tilespmem:$0x10200] =	vst v63  }
0x18: {  	_ =	swait.ge [sflag:s7], $0x10000  }
0x19: {  	s10 =	sshll.u32 s10, $0x4;
	[sflag:s7] =	ssyncset.done $0x0  }
0x1a: {  	s10 =	sadd.s32 s16, s10;
	[sflag:s7] =	ssyncadd.s32 $0xFFFF0000  }
0x1b: {  	[hbm4b:s10+s2] =	stream.linear.scatter [tilespmem:s6], [sflag:$0x2], $0x10000, $0x38;
	[tilespmem:$0x10200] =	vst v63  }
0x1c: {  	s12 =	sor.u32 $0x400, s13;
	_ =	swait.ge [sflag:s3], $0x10000  }
0x1d: {  	s11 =	sshrl.u32 s12, $0x3;
	[sflag:s3] =	ssyncset.done $0x0  }
0x1e: {  	s11 =	sadd.s32 s15, s11;
	[sflag:s3] =	ssyncadd.s32 $0xFFFF0000  }
0x1f: {  	[tilespmem:s2], [sflag:$0x2] =	stream.linear.gather [hbm4b:s11+s2], $0x200, $0x38;
	[tilespmem:$0x10200] =	vst v63  }
0x20: {  	_ =	swait.ge [sflag:s3], $0x200  }
0x21: {  	[sflag:s3] =	ssyncset.done $0x0  }
0x22: {  	[sflag:s3] =	ssyncadd.s32 $0xFFFFFE00  }
0x23: {  	[tilespmem:s6], [sflag:$0x1] =	stream.indirect.gather [hbm4b:s5+s6], $0x80, s2, s6, $0xb8;
	[tilespmem:$0x10200] =	vst v63  }
0x24: {  	_ =	swait.ge [sflag:s7], $0x10000  }
0x25: {  	s12 =	sshll.u32 s12, $0x4;
	[sflag:s7] =	ssyncset.done $0x0  }
0x26: {  	s12 =	sadd.s32 s16, s12;
	[sflag:s7] =	ssyncadd.s32 $0xFFFF0000  }
0x27: {  	[hbm4b:s12+s2] =	stream.linear.scatter [tilespmem:s6], [sflag:$0x2], $0x10000, $0x38;
	[tilespmem:$0x10200] =	vst v63  }
0x28: {  	s17 =	sor.u32 $0x600, s13;
	_ =	swait.ge [sflag:s3], $0x10000  }
0x29: {  	s13 =	sshrl.u32 s17, $0x3;
	[sflag:s3] =	ssyncset.done $0x0  }
0x2a: {  	s14 =	ssub.s32 $0x2, s14;
	s13 =	sadd.s32 s15, s13;
	[sflag:s3] =	ssyncadd.s32 $0xFFFF0000  }
0x2b: {  	[tilespmem:s2], [sflag:$0x2] =	stream.linear.gather [hbm4b:s13+s2], $0x200, $0x38;
	[tilespmem:$0x10200] =	vst v63  }
0x2c: {  	s30 =	sshrl.u32 s14, $0x1;
	_ =	swait.ge [sflag:s3], $0x200  }
0x2d: {  	s15 =	ssub.s32 s14, s30;
	[sflag:s3] =	ssyncset.done $0x0  }
0x2e: {  	s15 =	smax.u32 s15, $0x1;
	[sflag:s3] =	ssyncadd.s32 $0xFFFFFE00  }
0x2f: {  	[tilespmem:s6], [sflag:$0x1] =	stream.indirect.gather [hbm4b:s5+s6], $0x80, s2, s6, $0xb8;
	[tilespmem:$0x10200] =	vst v63  }
0x30: {  	p0 =	sne.s32 s15, $0x1;
	_ =	swait.ge [sflag:s7], $0x10000  }
.Ltmp0:
0x31: {  	s31 =	sshll.u32 s17, $0x4;
	[sflag:s7] =	ssyncset.done $0x0;
	(pc) =	sbr.rel @!p0 .LBB2_2-.Ltmp0, $4  }
0x32: {  	s14 =	sadd.s32 s16, s31;
	[sflag:s7] =	ssyncadd.s32 $0xFFFF0000  }
0x33: {  	[hbm4b:s14+s2] =	stream.linear.scatter [tilespmem:s6], [sflag:$0x2], $0x10000, $0x38;
	[tilespmem:$0x10200] =	vst v63  }
0x34: {  	_ =	swait.ge [sflag:s3], $0x10000  }
0x35: {  	s15 =	sadd.s32 $0xFFFFFFFF, s15;
	[sflag:s3] =	ssyncset.done $0x0  }
.LBB2_1:
0x36: {  	p0 =	sne.s32 s15, $0x1;
	s15 =	sadd.s32 $0xFFFFFFFF, s15;
	[sflag:s3] =	ssyncadd.s32 $0xFFFF0000  }
0x37: {  	[tilespmem:s2], [sflag:$0x2] =	stream.linear.gather [hbm4b:s4+s2], $0x200, $0x38;
	[tilespmem:$0x10200] =	vst v63  }
0x38: {  	_ =	swait.ge [sflag:s3], $0x200  }
0x39: {  	[sflag:s3] =	ssyncset.done $0x0  }
0x3a: {  	[sflag:s3] =	ssyncadd.s32 $0xFFFFFE00  }
0x3b: {  	[tilespmem:s6], [sflag:$0x1] =	stream.indirect.gather [hbm4b:s5+s6], $0x80, s2, s6, $0xb8;
	[tilespmem:$0x10200] =	vst v63  }
0x3c: {  	_ =	swait.ge [sflag:s7], $0x10000  }
0x3d: {  	[sflag:s7] =	ssyncset.done $0x0  }
0x3e: {  	[sflag:s7] =	ssyncadd.s32 $0xFFFF0000  }
0x3f: {  	[hbm4b:s8+s2] =	stream.linear.scatter [tilespmem:s6], [sflag:$0x2], $0x10000, $0x38;
	[tilespmem:$0x10200] =	vst v63  }
0x40: {  	_ =	swait.ge [sflag:s3], $0x10000  }
0x41: {  	[sflag:s3] =	ssyncset.done $0x0  }
0x42: {  	[sflag:s3] =	ssyncadd.s32 $0xFFFF0000  }
0x43: {  	[tilespmem:s2], [sflag:$0x2] =	stream.linear.gather [hbm4b:s9+s2], $0x200, $0x38;
	[tilespmem:$0x10200] =	vst v63  }
0x44: {  	_ =	swait.ge [sflag:s3], $0x200  }
0x45: {  	[sflag:s3] =	ssyncset.done $0x0  }
0x46: {  	[sflag:s3] =	ssyncadd.s32 $0xFFFFFE00  }
0x47: {  	[tilespmem:s6], [sflag:$0x1] =	stream.indirect.gather [hbm4b:s5+s6], $0x80, s2, s6, $0xb8;
	[tilespmem:$0x10200] =	vst v63  }
0x48: {  	_ =	swait.ge [sflag:s7], $0x10000  }
0x49: {  	[sflag:s7] =	ssyncset.done $0x0  }
0x4a: {  	[sflag:s7] =	ssyncadd.s32 $0xFFFF0000  }
0x4b: {  	[hbm4b:s10+s2] =	stream.linear.scatter [tilespmem:s6], [sflag:$0x2], $0x10000, $0x38;
	[tilespmem:$0x10200] =	vst v63  }
0x4c: {  	_ =	swait.ge [sflag:s3], $0x10000  }
0x4d: {  	[sflag:s3] =	ssyncset.done $0x0  }
0x4e: {  	[sflag:s3] =	ssyncadd.s32 $0xFFFF0000  }
0x4f: {  	[tilespmem:s2], [sflag:$0x2] =	stream.linear.gather [hbm4b:s11+s2], $0x200, $0x38;
	[tilespmem:$0x10200] =	vst v63  }
0x50: {  	_ =	swait.ge [sflag:s3], $0x200  }
0x51: {  	[sflag:s3] =	ssyncset.done $0x0  }
0x52: {  	[sflag:s3] =	ssyncadd.s32 $0xFFFFFE00  }
0x53: {  	[tilespmem:s6], [sflag:$0x1] =	stream.indirect.gather [hbm4b:s5+s6], $0x80, s2, s6, $0xb8;
	[tilespmem:$0x10200] =	vst v63  }
0x54: {  	_ =	swait.ge [sflag:s7], $0x10000  }
0x55: {  	[sflag:s7] =	ssyncset.done $0x0  }
0x56: {  	[sflag:s7] =	ssyncadd.s32 $0xFFFF0000  }
0x57: {  	[hbm4b:s12+s2] =	stream.linear.scatter [tilespmem:s6], [sflag:$0x2], $0x10000, $0x38;
	[tilespmem:$0x10200] =	vst v63  }
0x58: {  	_ =	swait.ge [sflag:s3], $0x10000  }
0x59: {  	[sflag:s3] =	ssyncset.done $0x0  }
0x5a: {  	[sflag:s3] =	ssyncadd.s32 $0xFFFF0000  }
0x5b: {  	[tilespmem:s2], [sflag:$0x2] =	stream.linear.gather [hbm4b:s13+s2], $0x200, $0x38;
	[tilespmem:$0x10200] =	vst v63  }
0x5c: {  	_ =	swait.ge [sflag:s3], $0x200  }
0x5d: {  	[sflag:s3] =	ssyncset.done $0x0  }
0x5e: {  	[sflag:s3] =	ssyncadd.s32 $0xFFFFFE00  }
0x5f: {  	[tilespmem:s6], [sflag:$0x1] =	stream.indirect.gather [hbm4b:s5+s6], $0x80, s2, s6, $0xb8;
	[tilespmem:$0x10200] =	vst v63  }
0x60: {  	_ =	swait.ge [sflag:s7], $0x10000  }
.Ltmp1:
0x61: {  	[sflag:s7] =	ssyncset.done $0x0;
	(pc) =	sbr.rel @p0 .LBB2_1-.Ltmp1, $4  }
0x62: {  	[sflag:s7] =	ssyncadd.s32 $0xFFFF0000  }
0x63: {  	[hbm4b:s14+s2] =	stream.linear.scatter [tilespmem:s6], [sflag:$0x2], $0x10000, $0x38;
	[tilespmem:$0x10200] =	vst v63  }
0x64: {  	_ =	swait.ge [sflag:s3], $0x10000  }
0x65: {  	[sflag:s3] =	ssyncset.done $0x0  }
.LBB2_2:
0x66: {  	[sflag:s3] =	ssyncadd.s32 $0xFFFF0000  }
0x67: {  	_ =	sfence.sel $0x180000  }
0x68: {  	[bflag:$0x0] =	sbarrier.arrive $0xFFFF  }
0x69: {  	p0 =	sne.s32 s0, $0x0;
	_ =	strace $0x90000047  }
0x6a: {  	s0 =	sadd.s32 @!p0 $0x100000, s1;
	[bflag:$0x2] =	sbarrier.arrive $0xFFFF  }
0x6b: {  	[sflag:s0] =	ssyncadd.tile.s32 @!p0 $0x1;
	_ =	shalt  }
.Lfunc_end2:
_tile_overlayer_lowered:
.L_overlay_start_2:
0x6c: {  	(tag) =	ssettag $0x2  }
0x6d: {  	s0 =	rddreg [dreg:$0x0];
	s2 =	stileid.u32  }
0x6e: {  	s1 =	rddreg [dreg:$0x1];
	p0 =	sne.s32 s2, $0x0  }
0x6f: {  	s3 =	rddreg [dreg:$0x2];
	[bflag:$0x3] =	sbarrier.arrive $0xFFFF;
	s2 =	simm.s32 @!p0 $0x1C02  }
0x70: {  	[timem:s3], [sflag:s2] =	dma.local @!p0 [hbm:s0], s1  }
0x71: {  	s0 =	simm.s32 @!p0 $0x2  }
0x72: {  	_ =	swait.ge @!p0 [sflag:s0], s1  }
0x73: {  	s1 =	ssub.s32 @!p0 $0x0, s1;
	[sflag:s0] =	ssyncset.done @!p0 $0x0  }
0x74: {  	[sflag:s0] =	ssyncadd.s32 @!p0 s1  }
0x75: {  	[bflag:$0x3] =	sbarrier.arrive $0xFFFF  }
0x76: {  	_ =	shalt  }

</sc_bundles>
